<compile_context>
chip_gen: v7x
topology: tpu7x:2x2x1
jax: 0.10.2.dev20260603
libtpu: 0.0.44.dev20260713+nightly
codegen_flags: <defaults>
</compile_context>

<pallas_src>
import functools

import jax
import jax.numpy as jnp
from jax import lax
from jax.experimental import pallas as pl
from jax.experimental.pallas import tpu as pltpu
from jax.experimental.pallas import tpu_sc as plsc

_EPS = 1e-05

_N_NODES = 10000
_N_EDGES = 320000
_D = 128
_NW = 32
_CHUNK = 80
_CHUNKS_PER_TILE = 128
_EDGES_PER_TILE = _CHUNK * _CHUNKS_PER_TILE
_BLK = 32
_N_BLKS = _CHUNKS_PER_TILE // _BLK
_ROWS_PER_SUB = 624
_ROWS_REMAINDER = _N_NODES - 16 * _ROWS_PER_SUB


def _sc_edge_stage(x, src2d, dst2d, edge_attr):
    mesh = plsc.VectorSubcoreMesh(core_axis_name="c", subcore_axis_name="s")

    @functools.partial(
        pl.kernel,
        mesh=mesh,
        out_type=[
            jax.ShapeDtypeStruct((_N_NODES, _D), jnp.float32),
            jax.ShapeDtypeStruct((_N_NODES, _D), jnp.float32),
        ],
        scratch_types=[
            pltpu.VMEM((_BLK, _CHUNK), jnp.int32),
            pltpu.VMEM((_BLK, _CHUNK), jnp.int32),
            pltpu.VMEM((_CHUNK, _D), jnp.float32),
            pltpu.VMEM((_CHUNK, _D), jnp.float32),
            pltpu.VMEM((_CHUNK, _D), jnp.float32),
            pltpu.VMEM((_CHUNK, _D), jnp.float32),
            pltpu.VMEM_SHARED((_N_NODES, _D), jnp.float32),
            pltpu.SemaphoreType.DMA,
            pltpu.SemaphoreType.DMA,
            pltpu.SemaphoreType.DMA,
            pltpu.SemaphoreType.DMA,
        ],
    )
    def k(x_hbm, src_hbm, dst_hbm, ea_hbm, out0, out1,
          src_v, dst_v, r0, r1, e0, e1, aggr_sh,
          sg0, sg1, se0, se1):
        rows = [r0, r1]
        eas = [e0, e1]
        sgs = [sg0, sg1]
        ses = [se0, se1]

        c = lax.axis_index("c")
        s = lax.axis_index("s")
        wid = c * 16 + s

        zv = jnp.zeros((16,), jnp.float32)

        def zrow(r, carry):
            for kk in range(_D // 16):
                r0[r, pl.ds(kk * 16, 16)] = zv
            return carry

        lax.fori_loop(0, _CHUNK, zrow, 0)
        row_base = s * _ROWS_PER_SUB
        for i in range(7):
            pltpu.sync_copy(r0, aggr_sh.at[pl.ds(row_base + i * _CHUNK, _CHUNK)])
        pltpu.sync_copy(r0.at[pl.ds(0, 64)],
                        aggr_sh.at[pl.ds(row_base + 560, 64)])

        @pl.when(s == 15)
        def _():
            pltpu.sync_copy(r0.at[pl.ds(0, _ROWS_REMAINDER)],
                            aggr_sh.at[pl.ds(16 * _ROWS_PER_SUB, _ROWS_REMAINDER)])

        plsc.subcore_barrier()

        edge_base = wid * _EDGES_PER_TILE
        n_blks = jnp.where(wid == _NW - 1, 1, _N_BLKS)

        def blk_body(bi, carry):
            row0 = wid * _CHUNKS_PER_TILE + bi * _BLK
            pltpu.sync_copy(src_hbm.at[pl.ds(row0, _BLK)], src_v)
            pltpu.sync_copy(dst_hbm.at[pl.ds(row0, _BLK)], dst_v)
            blk_edge0 = edge_base + bi * _BLK * _CHUNK

            def ea_slice(i):
                return ea_hbm.at[pl.ds(blk_edge0 + i * _CHUNK, _CHUNK)]

            pltpu.async_copy(x_hbm.at[src_v.at[0]], rows[0], sgs[0])
            pltpu.async_copy(ea_slice(0), eas[0], ses[0])

            def pair_body(p, pcarry):
                for u in range(2):
                    i = 2 * p + u
                    nb = u ^ 1
                    if u == 1:
                        @pl.when(p < (_BLK // 2) - 1)
                        def _():
                            pltpu.async_copy(x_hbm.at[src_v.at[i + 1]],
                                             rows[nb], sgs[nb])
                            pltpu.async_copy(ea_slice(i + 1), eas[nb], ses[nb])
                    else:
                        pltpu.async_copy(x_hbm.at[src_v.at[i + 1]],
                                         rows[nb], sgs[nb])
                        pltpu.async_copy(ea_slice(i + 1), eas[nb], ses[nb])
                    pltpu.make_async_copy(x_hbm.at[src_v.at[i]], rows[u],
                                          sgs[u]).wait()
                    pltpu.make_async_copy(ea_slice(i), eas[u], ses[u]).wait()
                    rbuf = rows[u]
                    ebuf = eas[u]

                    def row_body(r, rcarry):
                        for kk in range(_D // 16):
                            sl = pl.ds(kk * 16, 16)
                            rbuf[r, sl] = jnp.maximum(rbuf[r, sl] + ebuf[r, sl], 0.0)
                        return rcarry

                    lax.fori_loop(0, _CHUNK, row_body, 0)
                    pltpu.sync_copy(rbuf, aggr_sh.at[dst_v.at[i]], add=True)
                return pcarry

            lax.fori_loop(0, _BLK // 2, pair_body, 0)
            return carry

        lax.fori_loop(0, n_blks, blk_body, 0)
        plsc.subcore_barrier()

        osl = pl.ds(row_base, _ROWS_PER_SUB)
        tail = pl.ds(16 * _ROWS_PER_SUB, _ROWS_REMAINDER)

        @pl.when(c == 0)
        def _():
            pltpu.sync_copy(aggr_sh.at[osl], out0.at[osl])

            @pl.when(s == 15)
            def _():
                pltpu.sync_copy(aggr_sh.at[tail], out0.at[tail])

        @pl.when(c == 1)
        def _():
            pltpu.sync_copy(aggr_sh.at[osl], out1.at[osl])

            @pl.when(s == 15)
            def _():
                pltpu.sync_copy(aggr_sh.at[tail], out1.at[tail])

    return k(x, src2d, dst2d, edge_attr)


def _tc_epilogue(x, p0, p1, W, b):
    blk = 1000

    def body(x_ref, p0_ref, p1_ref, w_ref, b_ref, o_ref):
        h = (1.0 + _EPS) * x_ref[...] + p0_ref[...] + p1_ref[...]
        o = lax.dot_general(h, w_ref[...], (((1,), (1,)), ((), ())),
                            preferred_element_type=jnp.float32)
        o_ref[...] = jnp.maximum(o + b_ref[...], 0.0) + x_ref[...]

    return pl.pallas_call(
        body,
        grid=(_N_NODES // blk,),
        in_specs=[
            pl.BlockSpec((blk, _D), lambda i: (i, 0)),
            pl.BlockSpec((blk, _D), lambda i: (i, 0)),
            pl.BlockSpec((blk, _D), lambda i: (i, 0)),
            pl.BlockSpec((_D, _D), lambda i: (0, 0)),
            pl.BlockSpec((1, _D), lambda i: (0, 0)),
        ],
        out_specs=pl.BlockSpec((blk, _D), lambda i: (i, 0)),
        out_shape=jax.ShapeDtypeStruct((_N_NODES, _D), jnp.float32),
    )(x, p0, p1, W, b.reshape(1, _D))


def kernel(x, edge_index, edge_attr, W, b):
    src2d = edge_index[0].astype(jnp.int32).reshape(_N_EDGES // _CHUNK, _CHUNK)
    dst2d = edge_index[1].astype(jnp.int32).reshape(_N_EDGES // _CHUNK, _CHUNK)
    p0, p1 = _sc_edge_stage(x, src2d, dst2d, edge_attr)
    return _tc_epilogue(x, p0, p1, W, b)

# --- scband reference (transcript-rebuilt; emitter-appended) ---
"""Pipeline reference for scband-res-graph-module-76785425318277 (READ-ONLY COPY).

The authoritative reference and input builder live on the scoring server;
editing this copy changes nothing except your own understanding.
"""

import jax, jax.numpy as jnp
import numpy as np

EPS = 1e-05


def setup_inputs(seed: int = 0) -> dict:
    key = jax.random.key(seed)
    k1, k2, k3, k4, k5 = jax.random.split(key, 5)
    n_nodes, n_edges, d = 10000, 320000, 128
    x = jax.random.normal(k1, (n_nodes, d), dtype=jnp.float32)
    edge_index = jax.random.randint(k2, (2, n_edges), 0, n_nodes, dtype=jnp.int64)
    edge_attr = jax.random.normal(k3, (n_edges, d), dtype=jnp.float32)
    # Linear(in_channels=128, out_channels=128) params (PyTorch default init)
    bound = 1.0 / np.sqrt(d)
    W = jax.random.uniform(k4, (d, d), minval=-bound, maxval=bound, dtype=jnp.float32)
    b = jax.random.uniform(k5, (d,), minval=-bound, maxval=bound, dtype=jnp.float32)
    return {"x": x, "edge_index": edge_index, "edge_attr": edge_attr, "W": W, "b": b}


def reference(x, edge_index, edge_attr, W, b):
    # GINEConv: msg_j = ReLU(x_src + edge_attr); aggr_i = sum of messages into dst i
    src = edge_index[0]
    dst = edge_index[1]
    msg = jax.nn.relu(jnp.take(x, src, axis=0) + edge_attr)
    aggr = jnp.zeros_like(x).at[dst].add(msg)
    h = (1.0 + EPS) * x + aggr
    out = h @ W.T + b  # nn.Linear inside GINEConv
    # ResGraphModule: relu(conv(x)) + x
    return jax.nn.relu(out) + x

if __name__ == "__main__":
    import jax
    _d = setup_inputs()
    print(jax.jit(kernel)(*tuple(_d.values())))

</pallas_src>

<mosaic_0001>
#map = affine_map<(d0, d1) -> (0, 0)>
module attributes {stable_mosaic.version = 14 : i64} {
  func.func @k(%arg0: i32, %arg1: i32, %arg2: memref<10000x128xf32, #tpu.memory_space<hbm>>, %arg3: memref<4000x80xi32, #tpu.memory_space<hbm>>, %arg4: memref<4000x80xi32, #tpu.memory_space<hbm>>, %arg5: memref<320000x128xf32, #tpu.memory_space<hbm>>, %arg6: memref<10000x128xf32, #tpu.memory_space<hbm>>, %arg7: memref<10000x128xf32, #tpu.memory_space<hbm>>, %arg8: memref<32x80xi32, #tpu.memory_space<vmem>>, %arg9: memref<32x80xi32, #tpu.memory_space<vmem>>, %arg10: memref<80x128xf32, #tpu.memory_space<vmem>>, %arg11: memref<80x128xf32, #tpu.memory_space<vmem>>, %arg12: memref<80x128xf32, #tpu.memory_space<vmem>>, %arg13: memref<80x128xf32, #tpu.memory_space<vmem>>, %arg14: memref<10000x128xf32, #tpu.memory_space<vmem_shared>>, %arg15: memref<!tpu.dma_semaphore, #tpu.memory_space<semaphore_mem>>, %arg16: memref<!tpu.dma_semaphore, #tpu.memory_space<semaphore_mem>>, %arg17: memref<!tpu.dma_semaphore, #tpu.memory_space<semaphore_mem>>, %arg18: memref<!tpu.dma_semaphore, #tpu.memory_space<semaphore_mem>>) attributes {dimension_semantics = [#tpu.dimension_semantics<core_parallel>, #tpu.dimension_semantics<subcore_parallel>], iteration_bounds = array<i64: 2, 16>, scalar_prefetch = 0 : i64, scratch_operands = 11 : i64, tpu.core_type = #tpu.core_type<sc_vector_subcore>, window_params = [{transform_indices = #map}, {transform_indices = #map}, {transform_indices = #map}, {transform_indices = #map}, {transform_indices = #map}, {transform_indices = #map}]} {
    %mul3A = arith.constant 16 : i32
    %mul3A_0 = arith.muli %arg0, %mul3A : i32
    %add3A = arith.addi %mul3A_0, %arg1 : i32
    %broadcast_in_dim3A = arith.constant 0.000000e+00 : f32
    %broadcast_in_dim3A_1 = vector.broadcast %broadcast_in_dim3A : f32 to vector<16xf32>
    %scan3A = arith.constant 0 : i32
    %scan3A_2 = arith.constant 0 : i32
    %scan3A_3 = arith.constant 80 : i32
    %scan3A_4 = arith.addi %scan3A_2, %scan3A_3 : i32
    %scan3A_5 = arith.constant 1 : i32
    scf.for %scan3A_52 = %scan3A_2 to %scan3A_4 step %scan3A_5  : i32 {
      %swap3A = arith.index_cast %scan3A_52 : i32 to index
      %swap3A_53 = arith.constant 0 : index
      %swap3A_54 = tpu.vector_load %arg10[%swap3A, %swap3A_53] {strides = array<i32>} : memref<80x128xf32, #tpu.memory_space<vmem>>, vector<1x16xf32>,
      %swap3A_55 = vector.shape_cast %swap3A_54 : vector<1x16xf32> to vector<16xf32>
      %swap3A_56 = vector.shape_cast %broadcast_in_dim3A_1 : vector<16xf32> to vector<1x16xf32>
      tpu.vector_store %arg10[%swap3A, %swap3A_53], %swap3A_56 {strides = array<i32>} : memref<80x128xf32, #tpu.memory_space<vmem>>, vector<1x16xf32>,
      %swap3A_57 = arith.index_cast %scan3A_52 : i32 to index
      %swap3A_58 = arith.constant 16 : index
      %swap3A_59 = tpu.vector_load %arg10[%swap3A_57, %swap3A_58] {strides = array<i32>} : memref<80x128xf32, #tpu.memory_space<vmem>>, vector<1x16xf32>,
      %swap3A_60 = vector.shape_cast %swap3A_59 : vector<1x16xf32> to vector<16xf32>
      %swap3A_61 = vector.shape_cast %broadcast_in_dim3A_1 : vector<16xf32> to vector<1x16xf32>
      tpu.vector_store %arg10[%swap3A_57, %swap3A_58], %swap3A_61 {strides = array<i32>} : memref<80x128xf32, #tpu.memory_space<vmem>>, vector<1x16xf32>,
      %swap3A_62 = arith.index_cast %scan3A_52 : i32 to index
      %swap3A_63 = arith.constant 32 : index
      %swap3A_64 = tpu.vector_load %arg10[%swap3A_62, %swap3A_63] {strides = array<i32>} : memref<80x128xf32, #tpu.memory_space<vmem>>, vector<1x16xf32>,
      %swap3A_65 = vector.shape_cast %swap3A_64 : vector<1x16xf32> to vector<16xf32>
      %swap3A_66 = vector.shape_cast %broadcast_in_dim3A_1 : vector<16xf32> to vector<1x16xf32>
      tpu.vector_store %arg10[%swap3A_62, %swap3A_63], %swap3A_66 {strides = array<i32>} : memref<80x128xf32, #tpu.memory_space<vmem>>, vector<1x16xf32>,
      %swap3A_67 = arith.index_cast %scan3A_52 : i32 to index
      %swap3A_68 = arith.constant 48 : index
      %swap3A_69 = tpu.vector_load %arg10[%swap3A_67, %swap3A_68] {strides = array<i32>} : memref<80x128xf32, #tpu.memory_space<vmem>>, vector<1x16xf32>,
      %swap3A_70 = vector.shape_cast %swap3A_69 : vector<1x16xf32> to vector<16xf32>
      %swap3A_71 = vector.shape_cast %broadcast_in_dim3A_1 : vector<16xf32> to vector<1x16xf32>
      tpu.vector_store %arg10[%swap3A_67, %swap3A_68], %swap3A_71 {strides = array<i32>} : memref<80x128xf32, #tpu.memory_space<vmem>>, vector<1x16xf32>,
      %swap3A_72 = arith.index_cast %scan3A_52 : i32 to index
      %swap3A_73 = arith.constant 64 : index
      %swap3A_74 = tpu.vector_load %arg10[%swap3A_72, %swap3A_73] {strides = array<i32>} : memref<80x128xf32, #tpu.memory_space<vmem>>, vector<1x16xf32>,
      %swap3A_75 = vector.shape_cast %swap3A_74 : vector<1x16xf32> to vector<16xf32>
      %swap3A_76 = vector.shape_cast %broadcast_in_dim3A_1 : vector<16xf32> to vector<1x16xf32>
      tpu.vector_store %arg10[%swap3A_72, %swap3A_73], %swap3A_76 {strides = array<i32>} : memref<80x128xf32, #tpu.memory_space<vmem>>, vector<1x16xf32>,
      %swap3A_77 = arith.index_cast %scan3A_52 : i32 to index
      %swap3A_78 = arith.constant 80 : index
      %swap3A_79 = tpu.vector_load %arg10[%swap3A_77, %swap3A_78] {strides = array<i32>} : memref<80x128xf32, #tpu.memory_space<vmem>>, vector<1x16xf32>,
      %swap3A_80 = vector.shape_cast %swap3A_79 : vector<1x16xf32> to vector<16xf32>
      %swap3A_81 = vector.shape_cast %broadcast_in_dim3A_1 : vector<16xf32> to vector<1x16xf32>
      tpu.vector_store %arg10[%swap3A_77, %swap3A_78], %swap3A_81 {strides = array<i32>} : memref<80x128xf32, #tpu.memory_space<vmem>>, vector<1x16xf32>,
      %swap3A_82 = arith.index_cast %scan3A_52 : i32 to index
      %swap3A_83 = arith.constant 96 : index
      %swap3A_84 = tpu.vector_load %arg10[%swap3A_82, %swap3A_83] {strides = array<i32>} : memref<80x128xf32, #tpu.memory_space<vmem>>, vector<1x16xf32>,
      %swap3A_85 = vector.shape_cast %swap3A_84 : vector<1x16xf32> to vector<16xf32>
      %swap3A_86 = vector.shape_cast %broadcast_in_dim3A_1 : vector<16xf32> to vector<1x16xf32>
      tpu.vector_store %arg10[%swap3A_82, %swap3A_83], %swap3A_86 {strides = array<i32>} : memref<80x128xf32, #tpu.memory_space<vmem>>, vector<1x16xf32>,
      %swap3A_87 = arith.index_cast %scan3A_52 : i32 to index
      %swap3A_88 = arith.constant 112 : index
      %swap3A_89 = tpu.vector_load %arg10[%swap3A_87, %swap3A_88] {strides = array<i32>} : memref<80x128xf32, #tpu.memory_space<vmem>>, vector<1x16xf32>,
      %swap3A_90 = vector.shape_cast %swap3A_89 : vector<1x16xf32> to vector<16xf32>
      %swap3A_91 = vector.shape_cast %broadcast_in_dim3A_1 : vector<16xf32> to vector<1x16xf32>
      tpu.vector_store %arg10[%swap3A_87, %swap3A_88], %swap3A_91 {strides = array<i32>} : memref<80x128xf32, #tpu.memory_space<vmem>>, vector<1x16xf32>,
    }
    %scan3A_6 = arith.constant 80 : i32
    %mul3A_7 = arith.constant 624 : i32
    %mul3A_8 = arith.muli %arg1, %mul3A_7 : i32
    %add3A_9 = arith.constant 0 : i32
    %add3A_10 = arith.addi %mul3A_8, %add3A_9 : i32
    "tpu.region"() ({
      %run_scoped3A = tpu.sem_alloc : memref<!tpu.dma_semaphore, #tpu.memory_space<semaphore_mem>>
      %dma_start3A = arith.constant 0 : i32
      %dma_start3A_52 = tpu.memref_slice %arg14[%add3A_10, %dma_start3A] : memref<10000x128xf32, #tpu.memory_space<vmem_shared>> -> memref<80x128xf32, #tpu.memory_space<vmem_shared>>
      %dma_start3A_53 = arith.constant 0 : i32
      %dma_start3A_54 = tpu.memref_slice %arg14[%add3A_10, %dma_start3A_53] : memref<10000x128xf32, #tpu.memory_space<vmem_shared>> -> memref<80x128xf32, #tpu.memory_space<vmem_shared>>
      tpu.enqueue_dma source(%arg10 : memref<80x128xf32, #tpu.memory_space<vmem>>) target(%dma_start3A_54 : memref<80x128xf32, #tpu.memory_space<vmem_shared>>) target_semaphore(%run_scoped3A : memref<!tpu.dma_semaphore, #tpu.memory_space<semaphore_mem>>)
      %dma_wait3A = arith.constant 0 : i32
      %dma_wait3A_55 = tpu.memref_slice %arg14[%add3A_10, %dma_wait3A] : memref<10000x128xf32, #tpu.memory_space<vmem_shared>> -> memref<80x128xf32, #tpu.memory_space<vmem_shared>>
      %dma_wait3A_56 = arith.constant 0 : i32
      %dma_wait3A_57 = tpu.memref_slice %arg14[%add3A_10, %dma_wait3A_56] : memref<10000x128xf32, #tpu.memory_space<vmem_shared>> -> memref<80x128xf32, #tpu.memory_space<vmem_shared>>
      tpu.wait_dma2 semaphore(%run_scoped3A : memref<!tpu.dma_semaphore, #tpu.memory_space<semaphore_mem>>) src(%arg10 : memref<80x128xf32, #tpu.memory_space<vmem>>) dst(%dma_wait3A_57 : memref<80x128xf32, #tpu.memory_space<vmem_shared>>)
      tpu.yield
    }) : () -> ()
    %add3A_11 = arith.constant 80 : i32
    %add3A_12 = arith.addi %mul3A_8, %add3A_11 : i32
    "tpu.region"() ({
      %run_scoped3A = tpu.sem_alloc : memref<!tpu.dma_semaphore, #tpu.memory_space<semaphore_mem>>
      %dma_start3A = arith.constant 0 : i32
      %dma_start3A_52 = tpu.memref_slice %arg14[%add3A_12, %dma_start3A] : memref<10000x128xf32, #tpu.memory_space<vmem_shared>> -> memref<80x128xf32, #tpu.memory_space<vmem_shared>>
      %dma_start3A_53 = arith.constant 0 : i32
      %dma_start3A_54 = tpu.memref_slice %arg14[%add3A_12, %dma_start3A_53] : memref<10000x128xf32, #tpu.memory_space<vmem_shared>> -> memref<80x128xf32, #tpu.memory_space<vmem_shared>>
      tpu.enqueue_dma source(%arg10 : memref<80x128xf32, #tpu.memory_space<vmem>>) target(%dma_start3A_54 : memref<80x128xf32, #tpu.memory_space<vmem_shared>>) target_semaphore(%run_scoped3A : memref<!tpu.dma_semaphore, #tpu.memory_space<semaphore_mem>>)
      %dma_wait3A = arith.constant 0 : i32
      %dma_wait3A_55 = tpu.memref_slice %arg14[%add3A_12, %dma_wait3A] : memref<10000x128xf32, #tpu.memory_space<vmem_shared>> -> memref<80x128xf32, #tpu.memory_space<vmem_shared>>
      %dma_wait3A_56 = arith.constant 0 : i32
      %dma_wait3A_57 = tpu.memref_slice %arg14[%add3A_12, %dma_wait3A_56] : memref<10000x128xf32, #tpu.memory_space<vmem_shared>> -> memref<80x128xf32, #tpu.memory_space<vmem_shared>>
      tpu.wait_dma2 semaphore(%run_scoped3A : memref<!tpu.dma_semaphore, #tpu.memory_space<semaphore_mem>>) src(%arg10 : memref<80x128xf32, #tpu.memory_space<vmem>>) dst(%dma_wait3A_57 : memref<80x128xf32, #tpu.memory_space<vmem_shared>>)
      tpu.yield
    }) : () -> ()
    %add3A_13 = arith.constant 160 : i32
    %add3A_14 = arith.addi %mul3A_8, %add3A_13 : i32
    "tpu.region"() ({
      %run_scoped3A = tpu.sem_alloc : memref<!tpu.dma_semaphore, #tpu.memory_space<semaphore_mem>>
      %dma_start3A = arith.constant 0 : i32
      %dma_start3A_52 = tpu.memref_slice %arg14[%add3A_14, %dma_start3A] : memref<10000x128xf32, #tpu.memory_space<vmem_shared>> -> memref<80x128xf32, #tpu.memory_space<vmem_shared>>
      %dma_start3A_53 = arith.constant 0 : i32
      %dma_start3A_54 = tpu.memref_slice %arg14[%add3A_14, %dma_start3A_53] : memref<10000x128xf32, #tpu.memory_space<vmem_shared>> -> memref<80x128xf32, #tpu.memory_space<vmem_shared>>
      tpu.enqueue_dma source(%arg10 : memref<80x128xf32, #tpu.memory_space<vmem>>) target(%dma_start3A_54 : memref<80x128xf32, #tpu.memory_space<vmem_shared>>) target_semaphore(%run_scoped3A : memref<!tpu.dma_semaphore, #tpu.memory_space<semaphore_mem>>)
      %dma_wait3A = arith.constant 0 : i32
      %dma_wait3A_55 = tpu.memref_slice %arg14[%add3A_14, %dma_wait3A] : memref<10000x128xf32, #tpu.memory_space<vmem_shared>> -> memref<80x128xf32, #tpu.memory_space<vmem_shared>>
      %dma_wait3A_56 = arith.constant 0 : i32
      %dma_wait3A_57 = tpu.memref_slice %arg14[%add3A_14, %dma_wait3A_56] : memref<10000x128xf32, #tpu.memory_space<vmem_shared>> -> memref<80x128xf32, #tpu.memory_space<vmem_shared>>
      tpu.wait_dma2 semaphore(%run_scoped3A : memref<!tpu.dma_semaphore, #tpu.memory_space<semaphore_mem>>) src(%arg10 : memref<80x128xf32, #tpu.memory_space<vmem>>) dst(%dma_wait3A_57 : memref<80x128xf32, #tpu.memory_space<vmem_shared>>)
      tpu.yield
    }) : () -> ()
    %add3A_15 = arith.constant 240 : i32
    %add3A_16 = arith.addi %mul3A_8, %add3A_15 : i32
    "tpu.region"() ({
      %run_scoped3A = tpu.sem_alloc : memref<!tpu.dma_semaphore, #tpu.memory_space<semaphore_mem>>
      %dma_start3A = arith.constant 0 : i32
      %dma_start3A_52 = tpu.memref_slice %arg14[%add3A_16, %dma_start3A] : memref<10000x128xf32, #tpu.memory_space<vmem_shared>> -> memref<80x128xf32, #tpu.memory_space<vmem_shared>>
      %dma_start3A_53 = arith.constant 0 : i32
      %dma_start3A_54 = tpu.memref_slice %arg14[%add3A_16, %dma_start3A_53] : memref<10000x128xf32, #tpu.memory_space<vmem_shared>> -> memref<80x128xf32, #tpu.memory_space<vmem_shared>>
      tpu.enqueue_dma source(%arg10 : memref<80x128xf32, #tpu.memory_space<vmem>>) target(%dma_start3A_54 : memref<80x128xf32, #tpu.memory_space<vmem_shared>>) target_semaphore(%run_scoped3A : memref<!tpu.dma_semaphore, #tpu.memory_space<semaphore_mem>>)
      %dma_wait3A = arith.constant 0 : i32
      %dma_wait3A_55 = tpu.memref_slice %arg14[%add3A_16, %dma_wait3A] : memref<10000x128xf32, #tpu.memory_space<vmem_shared>> -> memref<80x128xf32, #tpu.memory_space<vmem_shared>>
      %dma_wait3A_56 = arith.constant 0 : i32
      %dma_wait3A_57 = tpu.memref_slice %arg14[%add3A_16, %dma_wait3A_56] : memref<10000x128xf32, #tpu.memory_space<vmem_shared>> -> memref<80x128xf32, #tpu.memory_space<vmem_shared>>
      tpu.wait_dma2 semaphore(%run_scoped3A : memref<!tpu.dma_semaphore, #tpu.memory_space<semaphore_mem>>) src(%arg10 : memref<80x128xf32, #tpu.memory_space<vmem>>) dst(%dma_wait3A_57 : memref<80x128xf32, #tpu.memory_space<vmem_shared>>)
      tpu.yield
    }) : () -> ()
    %add3A_17 = arith.constant 320 : i32
    %add3A_18 = arith.addi %mul3A_8, %add3A_17 : i32
    "tpu.region"() ({
      %run_scoped3A = tpu.sem_alloc : memref<!tpu.dma_semaphore, #tpu.memory_space<semaphore_mem>>
      %dma_start3A = arith.constant 0 : i32
      %dma_start3A_52 = tpu.memref_slice %arg14[%add3A_18, %dma_start3A] : memref<10000x128xf32, #tpu.memory_space<vmem_shared>> -> memref<80x128xf32, #tpu.memory_space<vmem_shared>>
      %dma_start3A_53 = arith.constant 0 : i32
      %dma_start3A_54 = tpu.memref_slice %arg14[%add3A_18, %dma_start3A_53] : memref<10000x128xf32, #tpu.memory_space<vmem_shared>> -> memref<80x128xf32, #tpu.memory_space<vmem_shared>>
      tpu.enqueue_dma source(%arg10 : memref<80x128xf32, #tpu.memory_space<vmem>>) target(%dma_start3A_54 : memref<80x128xf32, #tpu.memory_space<vmem_shared>>) target_semaphore(%run_scoped3A : memref<!tpu.dma_semaphore, #tpu.memory_space<semaphore_mem>>)
      %dma_wait3A = arith.constant 0 : i32
      %dma_wait3A_55 = tpu.memref_slice %arg14[%add3A_18, %dma_wait3A] : memref<10000x128xf32, #tpu.memory_space<vmem_shared>> -> memref<80x128xf32, #tpu.memory_space<vmem_shared>>
      %dma_wait3A_56 = arith.constant 0 : i32
      %dma_wait3A_57 = tpu.memref_slice %arg14[%add3A_18, %dma_wait3A_56] : memref<10000x128xf32, #tpu.memory_space<vmem_shared>> -> memref<80x128xf32, #tpu.memory_space<vmem_shared>>
      tpu.wait_dma2 semaphore(%run_scoped3A : memref<!tpu.dma_semaphore, #tpu.memory_space<semaphore_mem>>) src(%arg10 : memref<80x128xf32, #tpu.memory_space<vmem>>) dst(%dma_wait3A_57 : memref<80x128xf32, #tpu.memory_space<vmem_shared>>)
      tpu.yield
    }) : () -> ()
    %add3A_19 = arith.constant 400 : i32
    %add3A_20 = arith.addi %mul3A_8, %add3A_19 : i32
    "tpu.region"() ({
      %run_scoped3A = tpu.sem_alloc : memref<!tpu.dma_semaphore, #tpu.memory_space<semaphore_mem>>
      %dma_start3A = arith.constant 0 : i32
      %dma_start3A_52 = tpu.memref_slice %arg14[%add3A_20, %dma_start3A] : memref<10000x128xf32, #tpu.memory_space<vmem_shared>> -> memref<80x128xf32, #tpu.memory_space<vmem_shared>>
      %dma_start3A_53 = arith.constant 0 : i32
      %dma_start3A_54 = tpu.memref_slice %arg14[%add3A_20, %dma_start3A_53] : memref<10000x128xf32, #tpu.memory_space<vmem_shared>> -> memref<80x128xf32, #tpu.memory_space<vmem_shared>>
      tpu.enqueue_dma source(%arg10 : memref<80x128xf32, #tpu.memory_space<vmem>>) target(%dma_start3A_54 : memref<80x128xf32, #tpu.memory_space<vmem_shared>>) target_semaphore(%run_scoped3A : memref<!tpu.dma_semaphore, #tpu.memory_space<semaphore_mem>>)
      %dma_wait3A = arith.constant 0 : i32
      %dma_wait3A_55 = tpu.memref_slice %arg14[%add3A_20, %dma_wait3A] : memref<10000x128xf32, #tpu.memory_space<vmem_shared>> -> memref<80x128xf32, #tpu.memory_space<vmem_shared>>
      %dma_wait3A_56 = arith.constant 0 : i32
      %dma_wait3A_57 = tpu.memref_slice %arg14[%add3A_20, %dma_wait3A_56] : memref<10000x128xf32, #tpu.memory_space<vmem_shared>> -> memref<80x128xf32, #tpu.memory_space<vmem_shared>>
      tpu.wait_dma2 semaphore(%run_scoped3A : memref<!tpu.dma_semaphore, #tpu.memory_space<semaphore_mem>>) src(%arg10 : memref<80x128xf32, #tpu.memory_space<vmem>>) dst(%dma_wait3A_57 : memref<80x128xf32, #tpu.memory_space<vmem_shared>>)
      tpu.yield
    }) : () -> ()
    %add3A_21 = arith.constant 480 : i32
    %add3A_22 = arith.addi %mul3A_8, %add3A_21 : i32
    "tpu.region"() ({
      %run_scoped3A = tpu.sem_alloc : memref<!tpu.dma_semaphore, #tpu.memory_space<semaphore_mem>>
      %dma_start3A = arith.constant 0 : i32
      %dma_start3A_52 = tpu.memref_slice %arg14[%add3A_22, %dma_start3A] : memref<10000x128xf32, #tpu.memory_space<vmem_shared>> -> memref<80x128xf32, #tpu.memory_space<vmem_shared>>
      %dma_start3A_53 = arith.constant 0 : i32
      %dma_start3A_54 = tpu.memref_slice %arg14[%add3A_22, %dma_start3A_53] : memref<10000x128xf32, #tpu.memory_space<vmem_shared>> -> memref<80x128xf32, #tpu.memory_space<vmem_shared>>
      tpu.enqueue_dma source(%arg10 : memref<80x128xf32, #tpu.memory_space<vmem>>) target(%dma_start3A_54 : memref<80x128xf32, #tpu.memory_space<vmem_shared>>) target_semaphore(%run_scoped3A : memref<!tpu.dma_semaphore, #tpu.memory_space<semaphore_mem>>)
      %dma_wait3A = arith.constant 0 : i32
      %dma_wait3A_55 = tpu.memref_slice %arg14[%add3A_22, %dma_wait3A] : memref<10000x128xf32, #tpu.memory_space<vmem_shared>> -> memref<80x128xf32, #tpu.memory_space<vmem_shared>>
      %dma_wait3A_56 = arith.constant 0 : i32
      %dma_wait3A_57 = tpu.memref_slice %arg14[%add3A_22, %dma_wait3A_56] : memref<10000x128xf32, #tpu.memory_space<vmem_shared>> -> memref<80x128xf32, #tpu.memory_space<vmem_shared>>
      tpu.wait_dma2 semaphore(%run_scoped3A : memref<!tpu.dma_semaphore, #tpu.memory_space<semaphore_mem>>) src(%arg10 : memref<80x128xf32, #tpu.memory_space<vmem>>) dst(%dma_wait3A_57 : memref<80x128xf32, #tpu.memory_space<vmem_shared>>)
      tpu.yield
    }) : () -> ()
    %add3A_23 = arith.constant 560 : i32
    %add3A_24 = arith.addi %mul3A_8, %add3A_23 : i32
    "tpu.region"() ({
      %run_scoped3A = tpu.sem_alloc : memref<!tpu.dma_semaphore, #tpu.memory_space<semaphore_mem>>
      %dma_start3A = arith.constant 0 : i32
      %dma_start3A_52 = arith.constant 0 : i32
      %dma_start3A_53 = tpu.memref_slice %arg10[%dma_start3A, %dma_start3A_52] : memref<80x128xf32, #tpu.memory_space<vmem>> -> memref<64x128xf32, #tpu.memory_space<vmem>>
      %dma_start3A_54 = arith.constant 0 : i32
      %dma_start3A_55 = tpu.memref_slice %arg14[%add3A_24, %dma_start3A_54] : memref<10000x128xf32, #tpu.memory_space<vmem_shared>> -> memref<64x128xf32, #tpu.memory_space<vmem_shared>>
      %dma_start3A_56 = arith.constant 0 : i32
      %dma_start3A_57 = tpu.memref_slice %arg14[%add3A_24, %dma_start3A_56] : memref<10000x128xf32, #tpu.memory_space<vmem_shared>> -> memref<64x128xf32, #tpu.memory_space<vmem_shared>>
      %dma_start3A_58 = arith.constant 0 : i32
      %dma_start3A_59 = arith.constant 0 : i32
      %dma_start3A_60 = tpu.memref_slice %arg10[%dma_start3A_58, %dma_start3A_59] : memref<80x128xf32, #tpu.memory_space<vmem>> -> memref<64x128xf32, #tpu.memory_space<vmem>>
      tpu.enqueue_dma source(%dma_start3A_60 : memref<64x128xf32, #tpu.memory_space<vmem>>) target(%dma_start3A_57 : memref<64x128xf32, #tpu.memory_space<vmem_shared>>) target_semaphore(%run_scoped3A : memref<!tpu.dma_semaphore, #tpu.memory_space<semaphore_mem>>)
      %dma_wait3A = arith.constant 0 : i32
      %dma_wait3A_61 = arith.constant 0 : i32
      %dma_wait3A_62 = tpu.memref_slice %arg10[%dma_wait3A, %dma_wait3A_61] : memref<80x128xf32, #tpu.memory_space<vmem>> -> memref<64x128xf32, #tpu.memory_space<vmem>>
      %dma_wait3A_63 = arith.constant 0 : i32
      %dma_wait3A_64 = tpu.memref_slice %arg14[%add3A_24, %dma_wait3A_63] : memref<10000x128xf32, #tpu.memory_space<vmem_shared>> -> memref<64x128xf32, #tpu.memory_space<vmem_shared>>
      %dma_wait3A_65 = arith.constant 0 : i32
      %dma_wait3A_66 = tpu.memref_slice %arg14[%add3A_24, %dma_wait3A_65] : memref<10000x128xf32, #tpu.memory_space<vmem_shared>> -> memref<64x128xf32, #tpu.memory_space<vmem_shared>>
      %dma_wait3A_67 = arith.constant 0 : i32
      %dma_wait3A_68 = arith.constant 0 : i32
      %dma_wait3A_69 = tpu.memref_slice %arg10[%dma_wait3A_67, %dma_wait3A_68] : memref<80x128xf32, #tpu.memory_space<vmem>> -> memref<64x128xf32, #tpu.memory_space<vmem>>
      tpu.wait_dma2 semaphore(%run_scoped3A : memref<!tpu.dma_semaphore, #tpu.memory_space<semaphore_mem>>) src(%dma_wait3A_69 : memref<64x128xf32, #tpu.memory_space<vmem>>) dst(%dma_wait3A_66 : memref<64x128xf32, #tpu.memory_space<vmem_shared>>)
      tpu.yield
    }) : () -> ()
    %eq3A = arith.constant 15 : i32
    %eq3A_25 = arith.cmpi eq, %arg1, %eq3A : i32
    %convert_element_type3A = arith.extui %eq3A_25 : i1 to i32
    %cond3A = arith.constant 0 : i32
    %cond3A_26 = arith.cmpi ne, %convert_element_type3A, %cond3A : i32
    scf.if %cond3A_26 {
      "tpu.region"() ({
        %run_scoped3A = tpu.sem_alloc : memref<!tpu.dma_semaphore, #tpu.memory_space<semaphore_mem>>
        %dma_start3A = arith.constant 0 : i32
        %dma_start3A_52 = arith.constant 0 : i32
        %dma_start3A_53 = tpu.memref_slice %arg10[%dma_start3A, %dma_start3A_52] : memref<80x128xf32, #tpu.memory_space<vmem>> -> memref<16x128xf32, #tpu.memory_space<vmem>>
        %dma_start3A_54 = arith.constant 9984 : i32
        %dma_start3A_55 = arith.constant 0 : i32
        %dma_start3A_56 = tpu.memref_slice %arg14[%dma_start3A_54, %dma_start3A_55] : memref<10000x128xf32, #tpu.memory_space<vmem_shared>> -> memref<16x128xf32, #tpu.memory_space<vmem_shared>>
        %dma_start3A_57 = arith.constant 9984 : i32
        %dma_start3A_58 = arith.constant 0 : i32
        %dma_start3A_59 = tpu.memref_slice %arg14[%dma_start3A_57, %dma_start3A_58] : memref<10000x128xf32, #tpu.memory_space<vmem_shared>> -> memref<16x128xf32, #tpu.memory_space<vmem_shared>>
        %dma_start3A_60 = arith.constant 0 : i32
        %dma_start3A_61 = arith.constant 0 : i32
        %dma_start3A_62 = tpu.memref_slice %arg10[%dma_start3A_60, %dma_start3A_61] : memref<80x128xf32, #tpu.memory_space<vmem>> -> memref<16x128xf32, #tpu.memory_space<vmem>>
        tpu.enqueue_dma source(%dma_start3A_62 : memref<16x128xf32, #tpu.memory_space<vmem>>) target(%dma_start3A_59 : memref<16x128xf32, #tpu.memory_space<vmem_shared>>) target_semaphore(%run_scoped3A : memref<!tpu.dma_semaphore, #tpu.memory_space<semaphore_mem>>)
        %dma_wait3A = arith.constant 0 : i32
        %dma_wait3A_63 = arith.constant 0 : i32
        %dma_wait3A_64 = tpu.memref_slice %arg10[%dma_wait3A, %dma_wait3A_63] : memref<80x128xf32, #tpu.memory_space<vmem>> -> memref<16x128xf32, #tpu.memory_space<vmem>>
        %dma_wait3A_65 = arith.constant 9984 : i32
        %dma_wait3A_66 = arith.constant 0 : i32
        %dma_wait3A_67 = tpu.memref_slice %arg14[%dma_wait3A_65, %dma_wait3A_66] : memref<10000x128xf32, #tpu.memory_space<vmem_shared>> -> memref<16x128xf32, #tpu.memory_space<vmem_shared>>
        %dma_wait3A_68 = arith.constant 9984 : i32
        %dma_wait3A_69 = arith.constant 0 : i32
        %dma_wait3A_70 = tpu.memref_slice %arg14[%dma_wait3A_68, %dma_wait3A_69] : memref<10000x128xf32, #tpu.memory_space<vmem_shared>> -> memref<16x128xf32, #tpu.memory_space<vmem_shared>>
        %dma_wait3A_71 = arith.constant 0 : i32
        %dma_wait3A_72 = arith.constant 0 : i32
        %dma_wait3A_73 = tpu.memref_slice %arg10[%dma_wait3A_71, %dma_wait3A_72] : memref<80x128xf32, #tpu.memory_space<vmem>> -> memref<16x128xf32, #tpu.memory_space<vmem>>
        tpu.wait_dma2 semaphore(%run_scoped3A : memref<!tpu.dma_semaphore, #tpu.memory_space<semaphore_mem>>) src(%dma_wait3A_73 : memref<16x128xf32, #tpu.memory_space<vmem>>) dst(%dma_wait3A_70 : memref<16x128xf32, #tpu.memory_space<vmem_shared>>)
        tpu.yield
      }) : () -> ()
    } else {
    }
    %barrier3A = arith.constant 0 : index
    tpu.barrier barrier_id(%barrier3A)
    %mul3A_27 = arith.constant 10240 : i32
    %mul3A_28 = arith.muli %add3A, %mul3A_27 : i32
    %eq3A_29 = arith.constant 31 : i32
    %eq3A_30 = arith.cmpi eq, %add3A, %eq3A_29 : i32
    %jit3A = arith.constant 1 : i32
    %jit3A_31 = arith.constant 4 : i32
    %select_n3A = arith.select %eq3A_30, %jit3A, %jit3A_31 : i32
    %while3A = arith.constant 0 : i32
    %while3A_32 = arith.constant 0 : i32
    %while3A_33 = arith.subi %select_n3A, %while3A_32 : i32
    %while3A_34 = arith.addi %while3A_32, %while3A_33 : i32
    %while3A_35 = arith.constant 1 : i32
    %while3A_36 = arith.divsi %while3A_33, %while3A_35 : i32
    %while3A_37 = arith.muli %while3A_36, %while3A_35 : i32
    %while3A_38 = arith.addi %while3A_32, %while3A_37 : i32
    %while3A_39 = arith.constant 1 : i32
    scf.for %while3A_52 = %while3A_32 to %while3A_38 step %while3A_39  : i32 {
      %mul3A_53 = arith.constant 128 : i32
      %mul3A_54 = arith.muli %add3A, %mul3A_53 : i32
      %mul3A_55 = arith.constant 32 : i32
      %mul3A_56 = arith.muli %while3A_52, %mul3A_55 : i32
      %add3A_57 = arith.addi %mul3A_54, %mul3A_56 : i32
      "tpu.region"() ({
        %run_scoped3A = tpu.sem_alloc : memref<!tpu.dma_semaphore, #tpu.memory_space<semaphore_mem>>
        %dma_start3A_81 = arith.constant 0 : i32
        %dma_start3A_82 = tpu.memref_slice %arg3[%add3A_57, %dma_start3A_81] : memref<4000x80xi32, #tpu.memory_space<hbm>> -> memref<32x80xi32, #tpu.memory_space<hbm>>
        %dma_start3A_83 = arith.constant 0 : i32
        %dma_start3A_84 = tpu.memref_slice %arg3[%add3A_57, %dma_start3A_83] : memref<4000x80xi32, #tpu.memory_space<hbm>> -> memref<32x80xi32, #tpu.memory_space<hbm>>
        tpu.enqueue_dma source(%dma_start3A_84 : memref<32x80xi32, #tpu.memory_space<hbm>>) target(%arg8 : memref<32x80xi32, #tpu.memory_space<vmem>>) target_semaphore(%run_scoped3A : memref<!tpu.dma_semaphore, #tpu.memory_space<semaphore_mem>>)
        %dma_wait3A = arith.constant 0 : i32
        %dma_wait3A_85 = tpu.memref_slice %arg3[%add3A_57, %dma_wait3A] : memref<4000x80xi32, #tpu.memory_space<hbm>> -> memref<32x80xi32, #tpu.memory_space<hbm>>
        %dma_wait3A_86 = arith.constant 0 : i32
        %dma_wait3A_87 = tpu.memref_slice %arg3[%add3A_57, %dma_wait3A_86] : memref<4000x80xi32, #tpu.memory_space<hbm>> -> memref<32x80xi32, #tpu.memory_space<hbm>>
        tpu.wait_dma2 semaphore(%run_scoped3A : memref<!tpu.dma_semaphore, #tpu.memory_space<semaphore_mem>>) src(%dma_wait3A_87 : memref<32x80xi32, #tpu.memory_space<hbm>>) dst(%arg8 : memref<32x80xi32, #tpu.memory_space<vmem>>)
        tpu.yield
      }) : () -> ()
      "tpu.region"() ({
        %run_scoped3A = tpu.sem_alloc : memref<!tpu.dma_semaphore, #tpu.memory_space<semaphore_mem>>
        %dma_start3A_81 = arith.constant 0 : i32
        %dma_start3A_82 = tpu.memref_slice %arg4[%add3A_57, %dma_start3A_81] : memref<4000x80xi32, #tpu.memory_space<hbm>> -> memref<32x80xi32, #tpu.memory_space<hbm>>
        %dma_start3A_83 = arith.constant 0 : i32
        %dma_start3A_84 = tpu.memref_slice %arg4[%add3A_57, %dma_start3A_83] : memref<4000x80xi32, #tpu.memory_space<hbm>> -> memref<32x80xi32, #tpu.memory_space<hbm>>
        tpu.enqueue_dma source(%dma_start3A_84 : memref<32x80xi32, #tpu.memory_space<hbm>>) target(%arg9 : memref<32x80xi32, #tpu.memory_space<vmem>>) target_semaphore(%run_scoped3A : memref<!tpu.dma_semaphore, #tpu.memory_space<semaphore_mem>>)
        %dma_wait3A = arith.constant 0 : i32
        %dma_wait3A_85 = tpu.memref_slice %arg4[%add3A_57, %dma_wait3A] : memref<4000x80xi32, #tpu.memory_space<hbm>> -> memref<32x80xi32, #tpu.memory_space<hbm>>
        %dma_wait3A_86 = arith.constant 0 : i32
        %dma_wait3A_87 = tpu.memref_slice %arg4[%add3A_57, %dma_wait3A_86] : memref<4000x80xi32, #tpu.memory_space<hbm>> -> memref<32x80xi32, #tpu.memory_space<hbm>>
        tpu.wait_dma2 semaphore(%run_scoped3A : memref<!tpu.dma_semaphore, #tpu.memory_space<semaphore_mem>>) src(%dma_wait3A_87 : memref<32x80xi32, #tpu.memory_space<hbm>>) dst(%arg9 : memref<32x80xi32, #tpu.memory_space<vmem>>)
        tpu.yield
      }) : () -> ()
      %mul3A_58 = arith.constant 32 : i32
      %mul3A_59 = arith.muli %while3A_52, %mul3A_58 : i32
      %mul3A_60 = arith.constant 80 : i32
      %mul3A_61 = arith.muli %mul3A_59, %mul3A_60 : i32
      %add3A_62 = arith.addi %mul3A_28, %mul3A_61 : i32
      %dma_start3A = arith.constant 0 : i32
      %dma_start3A_63 = arith.constant 0 : i32
      %dma_start3A_64 = tpu.memref_slice %arg8[%dma_start3A, %dma_start3A_63] : memref<32x80xi32, #tpu.memory_space<vmem>> -> memref<1x80xi32, #tpu.memory_space<vmem>>
      %dma_start3A_65 = tpu.memref_squeeze %dma_start3A_64 : memref<1x80xi32, #tpu.memory_space<vmem>> -> memref<80xi32, #tpu.memory_space<vmem>>
      %dma_start3A_66 = arith.constant 0 : i32
      %dma_start3A_67 = arith.constant 0 : i32
      %dma_start3A_68 = tpu.memref_slice %arg2[%dma_start3A_66, %dma_start3A_67] : memref<10000x128xf32, #tpu.memory_space<hbm>> -> memref<10000x128xf32, #tpu.memory_space<hbm>>
      tpu.enqueue_indirect_dma source(%dma_start3A_68 : memref<10000x128xf32, #tpu.memory_space<hbm>>) target(%arg10 : memref<80x128xf32, #tpu.memory_space<vmem>>) offsets(%dma_start3A_65 : memref<80xi32, #tpu.memory_space<vmem>>) semaphore(%arg15 : memref<!tpu.dma_semaphore, #tpu.memory_space<semaphore_mem>>)
      %add3A_69 = arith.constant 0 : i32
      %add3A_70 = arith.addi %add3A_62, %add3A_69 : i32
      %dma_start3A_71 = arith.constant 0 : i32
      %dma_start3A_72 = tpu.memref_slice %arg5[%add3A_70, %dma_start3A_71] : memref<320000x128xf32, #tpu.memory_space<hbm>> -> memref<80x128xf32, #tpu.memory_space<hbm>>
      %dma_start3A_73 = arith.constant 0 : i32
      %dma_start3A_74 = tpu.memref_slice %arg5[%add3A_70, %dma_start3A_73] : memref<320000x128xf32, #tpu.memory_space<hbm>> -> memref<80x128xf32, #tpu.memory_space<hbm>>
      tpu.enqueue_dma source(%dma_start3A_74 : memref<80x128xf32, #tpu.memory_space<hbm>>) target(%arg12 : memref<80x128xf32, #tpu.memory_space<vmem>>) target_semaphore(%arg17 : memref<!tpu.dma_semaphore, #tpu.memory_space<semaphore_mem>>)
      %scan3A_75 = arith.constant 0 : i32
      %scan3A_76 = arith.constant 0 : i32
      %scan3A_77 = arith.constant 16 : i32
      %scan3A_78 = arith.addi %scan3A_76, %scan3A_77 : i32
      %scan3A_79 = arith.constant 1 : i32
      scf.for %scan3A_81 = %scan3A_76 to %scan3A_78 step %scan3A_79  : i32 {
        %mul3A_82 = arith.constant 2 : i32
        %mul3A_83 = arith.muli %mul3A_82, %scan3A_81 : i32
        %add3A_84 = arith.constant 0 : i32
        %add3A_85 = arith.addi %mul3A_83, %add3A_84 : i32
        %add3A_86 = arith.constant 1 : i32
        %add3A_87 = arith.addi %add3A_85, %add3A_86 : i32
        %dma_start3A_88 = arith.constant 0 : i32
        %dma_start3A_89 = tpu.memref_slice %arg8[%add3A_87, %dma_start3A_88] : memref<32x80xi32, #tpu.memory_space<vmem>> -> memref<1x80xi32, #tpu.memory_space<vmem>>
        %dma_start3A_90 = tpu.memref_squeeze %dma_start3A_89 : memref<1x80xi32, #tpu.memory_space<vmem>> -> memref<80xi32, #tpu.memory_space<vmem>>
        %dma_start3A_91 = arith.constant 0 : i32
        %dma_start3A_92 = arith.constant 0 : i32
        %dma_start3A_93 = tpu.memref_slice %arg2[%dma_start3A_91, %dma_start3A_92] : memref<10000x128xf32, #tpu.memory_space<hbm>> -> memref<10000x128xf32, #tpu.memory_space<hbm>>
        tpu.enqueue_indirect_dma source(%dma_start3A_93 : memref<10000x128xf32, #tpu.memory_space<hbm>>) target(%arg11 : memref<80x128xf32, #tpu.memory_space<vmem>>) offsets(%dma_start3A_90 : memref<80xi32, #tpu.memory_space<vmem>>) semaphore(%arg16 : memref<!tpu.dma_semaphore, #tpu.memory_space<semaphore_mem>>)
        %add3A_94 = arith.constant 1 : i32
        %add3A_95 = arith.addi %add3A_85, %add3A_94 : i32
        %mul3A_96 = arith.constant 80 : i32
        %mul3A_97 = arith.muli %add3A_95, %mul3A_96 : i32
        %add3A_98 = arith.addi %add3A_62, %mul3A_97 : i32
        %dma_start3A_99 = arith.constant 0 : i32
        %dma_start3A_100 = tpu.memref_slice %arg5[%add3A_98, %dma_start3A_99] : memref<320000x128xf32, #tpu.memory_space<hbm>> -> memref<80x128xf32, #tpu.memory_space<hbm>>
        %dma_start3A_101 = arith.constant 0 : i32
        %dma_start3A_102 = tpu.memref_slice %arg5[%add3A_98, %dma_start3A_101] : memref<320000x128xf32, #tpu.memory_space<hbm>> -> memref<80x128xf32, #tpu.memory_space<hbm>>
        tpu.enqueue_dma source(%dma_start3A_102 : memref<80x128xf32, #tpu.memory_space<hbm>>) target(%arg13 : memref<80x128xf32, #tpu.memory_space<vmem>>) target_semaphore(%arg18 : memref<!tpu.dma_semaphore, #tpu.memory_space<semaphore_mem>>)
        %dma_wait3A = arith.constant 0 : i32
        %dma_wait3A_103 = tpu.memref_slice %arg8[%add3A_85, %dma_wait3A] : memref<32x80xi32, #tpu.memory_space<vmem>> -> memref<1x80xi32, #tpu.memory_space<vmem>>
        %dma_wait3A_104 = tpu.memref_squeeze %dma_wait3A_103 : memref<1x80xi32, #tpu.memory_space<vmem>> -> memref<80xi32, #tpu.memory_space<vmem>>
        %dma_wait3A_105 = arith.constant 0 : i32
        %dma_wait3A_106 = arith.constant 0 : i32
        %dma_wait3A_107 = tpu.memref_slice %arg2[%dma_wait3A_105, %dma_wait3A_106] : memref<10000x128xf32, #tpu.memory_space<hbm>> -> memref<10000x128xf32, #tpu.memory_space<hbm>>
        tpu.wait_indirect_dma semaphore(%arg15 : memref<!tpu.dma_semaphore, #tpu.memory_space<semaphore_mem>>) src(%dma_wait3A_107 : memref<10000x128xf32, #tpu.memory_space<hbm>>) dst(%arg10 : memref<80x128xf32, #tpu.memory_space<vmem>>)
        %mul3A_108 = arith.constant 80 : i32
        %mul3A_109 = arith.muli %add3A_85, %mul3A_108 : i32
        %add3A_110 = arith.addi %add3A_62, %mul3A_109 : i32
        %dma_wait3A_111 = arith.constant 0 : i32
        %dma_wait3A_112 = tpu.memref_slice %arg5[%add3A_110, %dma_wait3A_111] : memref<320000x128xf32, #tpu.memory_space<hbm>> -> memref<80x128xf32, #tpu.memory_space<hbm>>
        %dma_wait3A_113 = arith.constant 0 : i32
        %dma_wait3A_114 = tpu.memref_slice %arg5[%add3A_110, %dma_wait3A_113] : memref<320000x128xf32, #tpu.memory_space<hbm>> -> memref<80x128xf32, #tpu.memory_space<hbm>>
        tpu.wait_dma2 semaphore(%arg17 : memref<!tpu.dma_semaphore, #tpu.memory_space<semaphore_mem>>) src(%dma_wait3A_114 : memref<80x128xf32, #tpu.memory_space<hbm>>) dst(%arg12 : memref<80x128xf32, #tpu.memory_space<vmem>>)
        %scan3A_115 = arith.constant 0 : i32
        %scan3A_116 = arith.constant 0 : i32
        %scan3A_117 = arith.constant 80 : i32
        %scan3A_118 = arith.addi %scan3A_116, %scan3A_117 : i32
        %scan3A_119 = arith.constant 1 : i32
        scf.for %scan3A_148 = %scan3A_116 to %scan3A_118 step %scan3A_119  : i32 {
          %get3A = arith.index_cast %scan3A_148 : i32 to index
          %get3A_149 = arith.constant 0 : index
          %get3A_150 = tpu.vector_load %arg10[%get3A, %get3A_149] {strides = array<i32>} : memref<80x128xf32, #tpu.memory_space<vmem>>, vector<1x16xf32>,
          %get3A_151 = vector.shape_cast %get3A_150 : vector<1x16xf32> to vector<16xf32>
          %get3A_152 = arith.index_cast %scan3A_148 : i32 to index
          %get3A_153 = arith.constant 0 : index
          %get3A_154 = tpu.vector_load %arg12[%get3A_152, %get3A_153] {strides = array<i32>} : memref<80x128xf32, #tpu.memory_space<vmem>>, vector<1x16xf32>,
          %get3A_155 = vector.shape_cast %get3A_154 : vector<1x16xf32> to vector<16xf32>
          %add3A_156 = arith.addf %get3A_151, %get3A_155 : vector<16xf32>
          %max3A = arith.constant 0.000000e+00 : f32
          %max3A_157 = vector.broadcast %max3A : f32 to vector<16xf32>
          %max3A_158 = arith.maximumf %add3A_156, %max3A_157 : vector<16xf32>
          %swap3A = arith.index_cast %scan3A_148 : i32 to index
          %swap3A_159 = arith.constant 0 : index
          %swap3A_160 = tpu.vector_load %arg10[%swap3A, %swap3A_159] {strides = array<i32>} : memref<80x128xf32, #tpu.memory_space<vmem>>, vector<1x16xf32>,
          %swap3A_161 = vector.shape_cast %swap3A_160 : vector<1x16xf32> to vector<16xf32>
          %swap3A_162 = vector.shape_cast %max3A_158 : vector<16xf32> to vector<1x16xf32>
          tpu.vector_store %arg10[%swap3A, %swap3A_159], %swap3A_162 {strides = array<i32>} : memref<80x128xf32, #tpu.memory_space<vmem>>, vector<1x16xf32>,
          %get3A_163 = arith.index_cast %scan3A_148 : i32 to index
          %get3A_164 = arith.constant 16 : index
          %get3A_165 = tpu.vector_load %arg10[%get3A_163, %get3A_164] {strides = array<i32>} : memref<80x128xf32, #tpu.memory_space<vmem>>, vector<1x16xf32>,
          %get3A_166 = vector.shape_cast %get3A_165 : vector<1x16xf32> to vector<16xf32>
          %get3A_167 = arith.index_cast %scan3A_148 : i32 to index
          %get3A_168 = arith.constant 16 : index
          %get3A_169 = tpu.vector_load %arg12[%get3A_167, %get3A_168] {strides = array<i32>} : memref<80x128xf32, #tpu.memory_space<vmem>>, vector<1x16xf32>,
          %get3A_170 = vector.shape_cast %get3A_169 : vector<1x16xf32> to vector<16xf32>
          %add3A_171 = arith.addf %get3A_166, %get3A_170 : vector<16xf32>
          %max3A_172 = arith.constant 0.000000e+00 : f32
          %max3A_173 = vector.broadcast %max3A_172 : f32 to vector<16xf32>
          %max3A_174 = arith.maximumf %add3A_171, %max3A_173 : vector<16xf32>
          %swap3A_175 = arith.index_cast %scan3A_148 : i32 to index
          %swap3A_176 = arith.constant 16 : index
          %swap3A_177 = tpu.vector_load %arg10[%swap3A_175, %swap3A_176] {strides = array<i32>} : memref<80x128xf32, #tpu.memory_space<vmem>>, vector<1x16xf32>,
          %swap3A_178 = vector.shape_cast %swap3A_177 : vector<1x16xf32> to vector<16xf32>
          %swap3A_179 = vector.shape_cast %max3A_174 : vector<16xf32> to vector<1x16xf32>
          tpu.vector_store %arg10[%swap3A_175, %swap3A_176], %swap3A_179 {strides = array<i32>} : memref<80x128xf32, #tpu.memory_space<vmem>>, vector<1x16xf32>,
          %get3A_180 = arith.index_cast %scan3A_148 : i32 to index
          %get3A_181 = arith.constant 32 : index
          %get3A_182 = tpu.vector_load %arg10[%get3A_180, %get3A_181] {strides = array<i32>} : memref<80x128xf32, #tpu.memory_space<vmem>>, vector<1x16xf32>,
          %get3A_183 = vector.shape_cast %get3A_182 : vector<1x16xf32> to vector<16xf32>
          %get3A_184 = arith.index_cast %scan3A_148 : i32 to index
          %get3A_185 = arith.constant 32 : index
          %get3A_186 = tpu.vector_load %arg12[%get3A_184, %get3A_185] {strides = array<i32>} : memref<80x128xf32, #tpu.memory_space<vmem>>, vector<1x16xf32>,
          %get3A_187 = vector.shape_cast %get3A_186 : vector<1x16xf32> to vector<16xf32>
          %add3A_188 = arith.addf %get3A_183, %get3A_187 : vector<16xf32>
          %max3A_189 = arith.constant 0.000000e+00 : f32
          %max3A_190 = vector.broadcast %max3A_189 : f32 to vector<16xf32>
          %max3A_191 = arith.maximumf %add3A_188, %max3A_190 : vector<16xf32>
          %swap3A_192 = arith.index_cast %scan3A_148 : i32 to index
          %swap3A_193 = arith.constant 32 : index
          %swap3A_194 = tpu.vector_load %arg10[%swap3A_192, %swap3A_193] {strides = array<i32>} : memref<80x128xf32, #tpu.memory_space<vmem>>, vector<1x16xf32>,
          %swap3A_195 = vector.shape_cast %swap3A_194 : vector<1x16xf32> to vector<16xf32>
          %swap3A_196 = vector.shape_cast %max3A_191 : vector<16xf32> to vector<1x16xf32>
          tpu.vector_store %arg10[%swap3A_192, %swap3A_193], %swap3A_196 {strides = array<i32>} : memref<80x128xf32, #tpu.memory_space<vmem>>, vector<1x16xf32>,
          %get3A_197 = arith.index_cast %scan3A_148 : i32 to index
          %get3A_198 = arith.constant 48 : index
          %get3A_199 = tpu.vector_load %arg10[%get3A_197, %get3A_198] {strides = array<i32>} : memref<80x128xf32, #tpu.memory_space<vmem>>, vector<1x16xf32>,
          %get3A_200 = vector.shape_cast %get3A_199 : vector<1x16xf32> to vector<16xf32>
          %get3A_201 = arith.index_cast %scan3A_148 : i32 to index
          %get3A_202 = arith.constant 48 : index
          %get3A_203 = tpu.vector_load %arg12[%get3A_201, %get3A_202] {strides = array<i32>} : memref<80x128xf32, #tpu.memory_space<vmem>>, vector<1x16xf32>,
          %get3A_204 = vector.shape_cast %get3A_203 : vector<1x16xf32> to vector<16xf32>
          %add3A_205 = arith.addf %get3A_200, %get3A_204 : vector<16xf32>
          %max3A_206 = arith.constant 0.000000e+00 : f32
          %max3A_207 = vector.broadcast %max3A_206 : f32 to vector<16xf32>
          %max3A_208 = arith.maximumf %add3A_205, %max3A_207 : vector<16xf32>
          %swap3A_209 = arith.index_cast %scan3A_148 : i32 to index
          %swap3A_210 = arith.constant 48 : index
          %swap3A_211 = tpu.vector_load %arg10[%swap3A_209, %swap3A_210] {strides = array<i32>} : memref<80x128xf32, #tpu.memory_space<vmem>>, vector<1x16xf32>,
          %swap3A_212 = vector.shape_cast %swap3A_211 : vector<1x16xf32> to vector<16xf32>
          %swap3A_213 = vector.shape_cast %max3A_208 : vector<16xf32> to vector<1x16xf32>
          tpu.vector_store %arg10[%swap3A_209, %swap3A_210], %swap3A_213 {strides = array<i32>} : memref<80x128xf32, #tpu.memory_space<vmem>>, vector<1x16xf32>,
          %get3A_214 = arith.index_cast %scan3A_148 : i32 to index
          %get3A_215 = arith.constant 64 : index
          %get3A_216 = tpu.vector_load %arg10[%get3A_214, %get3A_215] {strides = array<i32>} : memref<80x128xf32, #tpu.memory_space<vmem>>, vector<1x16xf32>,
          %get3A_217 = vector.shape_cast %get3A_216 : vector<1x16xf32> to vector<16xf32>
          %get3A_218 = arith.index_cast %scan3A_148 : i32 to index
          %get3A_219 = arith.constant 64 : index
          %get3A_220 = tpu.vector_load %arg12[%get3A_218, %get3A_219] {strides = array<i32>} : memref<80x128xf32, #tpu.memory_space<vmem>>, vector<1x16xf32>,
          %get3A_221 = vector.shape_cast %get3A_220 : vector<1x16xf32> to vector<16xf32>
          %add3A_222 = arith.addf %get3A_217, %get3A_221 : vector<16xf32>
          %max3A_223 = arith.constant 0.000000e+00 : f32
          %max3A_224 = vector.broadcast %max3A_223 : f32 to vector<16xf32>
          %max3A_225 = arith.maximumf %add3A_222, %max3A_224 : vector<16xf32>
          %swap3A_226 = arith.index_cast %scan3A_148 : i32 to index
          %swap3A_227 = arith.constant 64 : index
          %swap3A_228 = tpu.vector_load %arg10[%swap3A_226, %swap3A_227] {strides = array<i32>} : memref<80x128xf32, #tpu.memory_space<vmem>>, vector<1x16xf32>,
          %swap3A_229 = vector.shape_cast %swap3A_228 : vector<1x16xf32> to vector<16xf32>
          %swap3A_230 = vector.shape_cast %max3A_225 : vector<16xf32> to vector<1x16xf32>
          tpu.vector_store %arg10[%swap3A_226, %swap3A_227], %swap3A_230 {strides = array<i32>} : memref<80x128xf32, #tpu.memory_space<vmem>>, vector<1x16xf32>,
          %get3A_231 = arith.index_cast %scan3A_148 : i32 to index
          %get3A_232 = arith.constant 80 : index
          %get3A_233 = tpu.vector_load %arg10[%get3A_231, %get3A_232] {strides = array<i32>} : memref<80x128xf32, #tpu.memory_space<vmem>>, vector<1x16xf32>,
          %get3A_234 = vector.shape_cast %get3A_233 : vector<1x16xf32> to vector<16xf32>
          %get3A_235 = arith.index_cast %scan3A_148 : i32 to index
          %get3A_236 = arith.constant 80 : index
          %get3A_237 = tpu.vector_load %arg12[%get3A_235, %get3A_236] {strides = array<i32>} : memref<80x128xf32, #tpu.memory_space<vmem>>, vector<1x16xf32>,
          %get3A_238 = vector.shape_cast %get3A_237 : vector<1x16xf32> to vector<16xf32>
          %add3A_239 = arith.addf %get3A_234, %get3A_238 : vector<16xf32>
          %max3A_240 = arith.constant 0.000000e+00 : f32
          %max3A_241 = vector.broadcast %max3A_240 : f32 to vector<16xf32>
          %max3A_242 = arith.maximumf %add3A_239, %max3A_241 : vector<16xf32>
          %swap3A_243 = arith.index_cast %scan3A_148 : i32 to index
          %swap3A_244 = arith.constant 80 : index
          %swap3A_245 = tpu.vector_load %arg10[%swap3A_243, %swap3A_244] {strides = array<i32>} : memref<80x128xf32, #tpu.memory_space<vmem>>, vector<1x16xf32>,
          %swap3A_246 = vector.shape_cast %swap3A_245 : vector<1x16xf32> to vector<16xf32>
          %swap3A_247 = vector.shape_cast %max3A_242 : vector<16xf32> to vector<1x16xf32>
          tpu.vector_store %arg10[%swap3A_243, %swap3A_244], %swap3A_247 {strides = array<i32>} : memref<80x128xf32, #tpu.memory_space<vmem>>, vector<1x16xf32>,
          %get3A_248 = arith.index_cast %scan3A_148 : i32 to index
          %get3A_249 = arith.constant 96 : index
          %get3A_250 = tpu.vector_load %arg10[%get3A_248, %get3A_249] {strides = array<i32>} : memref<80x128xf32, #tpu.memory_space<vmem>>, vector<1x16xf32>,
          %get3A_251 = vector.shape_cast %get3A_250 : vector<1x16xf32> to vector<16xf32>
          %get3A_252 = arith.index_cast %scan3A_148 : i32 to index
          %get3A_253 = arith.constant 96 : index
          %get3A_254 = tpu.vector_load %arg12[%get3A_252, %get3A_253] {strides = array<i32>} : memref<80x128xf32, #tpu.memory_space<vmem>>, vector<1x16xf32>,
          %get3A_255 = vector.shape_cast %get3A_254 : vector<1x16xf32> to vector<16xf32>
          %add3A_256 = arith.addf %get3A_251, %get3A_255 : vector<16xf32>
          %max3A_257 = arith.constant 0.000000e+00 : f32
          %max3A_258 = vector.broadcast %max3A_257 : f32 to vector<16xf32>
          %max3A_259 = arith.maximumf %add3A_256, %max3A_258 : vector<16xf32>
          %swap3A_260 = arith.index_cast %scan3A_148 : i32 to index
          %swap3A_261 = arith.constant 96 : index
          %swap3A_262 = tpu.vector_load %arg10[%swap3A_260, %swap3A_261] {strides = array<i32>} : memref<80x128xf32, #tpu.memory_space<vmem>>, vector<1x16xf32>,
          %swap3A_263 = vector.shape_cast %swap3A_262 : vector<1x16xf32> to vector<16xf32>
          %swap3A_264 = vector.shape_cast %max3A_259 : vector<16xf32> to vector<1x16xf32>
          tpu.vector_store %arg10[%swap3A_260, %swap3A_261], %swap3A_264 {strides = array<i32>} : memref<80x128xf32, #tpu.memory_space<vmem>>, vector<1x16xf32>,
          %get3A_265 = arith.index_cast %scan3A_148 : i32 to index
          %get3A_266 = arith.constant 112 : index
          %get3A_267 = tpu.vector_load %arg10[%get3A_265, %get3A_266] {strides = array<i32>} : memref<80x128xf32, #tpu.memory_space<vmem>>, vector<1x16xf32>,
          %get3A_268 = vector.shape_cast %get3A_267 : vector<1x16xf32> to vector<16xf32>
          %get3A_269 = arith.index_cast %scan3A_148 : i32 to index
          %get3A_270 = arith.constant 112 : index
          %get3A_271 = tpu.vector_load %arg12[%get3A_269, %get3A_270] {strides = array<i32>} : memref<80x128xf32, #tpu.memory_space<vmem>>, vector<1x16xf32>,
          %get3A_272 = vector.shape_cast %get3A_271 : vector<1x16xf32> to vector<16xf32>
          %add3A_273 = arith.addf %get3A_268, %get3A_272 : vector<16xf32>
          %max3A_274 = arith.constant 0.000000e+00 : f32
          %max3A_275 = vector.broadcast %max3A_274 : f32 to vector<16xf32>
          %max3A_276 = arith.maximumf %add3A_273, %max3A_275 : vector<16xf32>
          %swap3A_277 = arith.index_cast %scan3A_148 : i32 to index
          %swap3A_278 = arith.constant 112 : index
          %swap3A_279 = tpu.vector_load %arg10[%swap3A_277, %swap3A_278] {strides = array<i32>} : memref<80x128xf32, #tpu.memory_space<vmem>>, vector<1x16xf32>,
          %swap3A_280 = vector.shape_cast %swap3A_279 : vector<1x16xf32> to vector<16xf32>
          %swap3A_281 = vector.shape_cast %max3A_276 : vector<16xf32> to vector<1x16xf32>
          tpu.vector_store %arg10[%swap3A_277, %swap3A_278], %swap3A_281 {strides = array<i32>} : memref<80x128xf32, #tpu.memory_space<vmem>>, vector<1x16xf32>,
        }
        %scan3A_120 = arith.constant 80 : i32
        "tpu.region"() ({
          %run_scoped3A = tpu.sem_alloc : memref<!tpu.dma_semaphore, #tpu.memory_space<semaphore_mem>>
          %dma_start3A_148 = arith.constant 0 : i32
          %dma_start3A_149 = tpu.memref_slice %arg9[%add3A_85, %dma_start3A_148] : memref<32x80xi32, #tpu.memory_space<vmem>> -> memref<1x80xi32, #tpu.memory_space<vmem>>
          %dma_start3A_150 = tpu.memref_squeeze %dma_start3A_149 : memref<1x80xi32, #tpu.memory_space<vmem>> -> memref<80xi32, #tpu.memory_space<vmem>>
          %dma_start3A_151 = arith.constant 0 : i32
          %dma_start3A_152 = arith.constant 0 : i32
          %dma_start3A_153 = tpu.memref_slice %arg14[%dma_start3A_151, %dma_start3A_152] : memref<10000x128xf32, #tpu.memory_space<vmem_shared>> -> memref<10000x128xf32, #tpu.memory_space<vmem_shared>>
          tpu.enqueue_indirect_dma source(%arg10 : memref<80x128xf32, #tpu.memory_space<vmem>>) target(%dma_start3A_153 : memref<10000x128xf32, #tpu.memory_space<vmem_shared>>) offsets(%dma_start3A_150 : memref<80xi32, #tpu.memory_space<vmem>>) semaphore(%run_scoped3A : memref<!tpu.dma_semaphore, #tpu.memory_space<semaphore_mem>>) {add = true}
          %dma_wait3A_154 = arith.constant 0 : i32
          %dma_wait3A_155 = tpu.memref_slice %arg9[%add3A_85, %dma_wait3A_154] : memref<32x80xi32, #tpu.memory_space<vmem>> -> memref<1x80xi32, #tpu.memory_space<vmem>>
          %dma_wait3A_156 = tpu.memref_squeeze %dma_wait3A_155 : memref<1x80xi32, #tpu.memory_space<vmem>> -> memref<80xi32, #tpu.memory_space<vmem>>
          %dma_wait3A_157 = arith.constant 0 : i32
          %dma_wait3A_158 = arith.constant 0 : i32
          %dma_wait3A_159 = tpu.memref_slice %arg14[%dma_wait3A_157, %dma_wait3A_158] : memref<10000x128xf32, #tpu.memory_space<vmem_shared>> -> memref<10000x128xf32, #tpu.memory_space<vmem_shared>>
          tpu.wait_indirect_dma semaphore(%run_scoped3A : memref<!tpu.dma_semaphore, #tpu.memory_space<semaphore_mem>>) src(%arg10 : memref<80x128xf32, #tpu.memory_space<vmem>>) dst(%dma_wait3A_159 : memref<10000x128xf32, #tpu.memory_space<vmem_shared>>)
          tpu.yield
        }) : () -> ()
        %mul3A_121 = arith.constant 2 : i32
        %mul3A_122 = arith.muli %mul3A_121, %scan3A_81 : i32
        %add3A_123 = arith.constant 1 : i32
        %add3A_124 = arith.addi %mul3A_122, %add3A_123 : i32
        %lt3A = arith.constant 15 : i32
        %lt3A_125 = arith.cmpi slt, %scan3A_81, %lt3A : i32
        %convert_element_type3A_126 = arith.extui %lt3A_125 : i1 to i32
        %cond3A_127 = arith.constant 0 : i32
        %cond3A_128 = arith.cmpi ne, %convert_element_type3A_126, %cond3A_127 : i32
        scf.if %cond3A_128 {
          %add3A_148 = arith.constant 1 : i32
          %add3A_149 = arith.addi %add3A_124, %add3A_148 : i32
          %dma_start3A_150 = arith.constant 0 : i32
          %dma_start3A_151 = tpu.memref_slice %arg8[%add3A_149, %dma_start3A_150] : memref<32x80xi32, #tpu.memory_space<vmem>> -> memref<1x80xi32, #tpu.memory_space<vmem>>
          %dma_start3A_152 = tpu.memref_squeeze %dma_start3A_151 : memref<1x80xi32, #tpu.memory_space<vmem>> -> memref<80xi32, #tpu.memory_space<vmem>>
          %dma_start3A_153 = arith.constant 0 : i32
          %dma_start3A_154 = arith.constant 0 : i32
          %dma_start3A_155 = tpu.memref_slice %arg2[%dma_start3A_153, %dma_start3A_154] : memref<10000x128xf32, #tpu.memory_space<hbm>> -> memref<10000x128xf32, #tpu.memory_space<hbm>>
          tpu.enqueue_indirect_dma source(%dma_start3A_155 : memref<10000x128xf32, #tpu.memory_space<hbm>>) target(%arg10 : memref<80x128xf32, #tpu.memory_space<vmem>>) offsets(%dma_start3A_152 : memref<80xi32, #tpu.memory_space<vmem>>) semaphore(%arg15 : memref<!tpu.dma_semaphore, #tpu.memory_space<semaphore_mem>>)
          %add3A_156 = arith.constant 1 : i32
          %add3A_157 = arith.addi %add3A_124, %add3A_156 : i32
          %mul3A_158 = arith.constant 80 : i32
          %mul3A_159 = arith.muli %add3A_157, %mul3A_158 : i32
          %add3A_160 = arith.addi %add3A_62, %mul3A_159 : i32
          %dma_start3A_161 = arith.constant 0 : i32
          %dma_start3A_162 = tpu.memref_slice %arg5[%add3A_160, %dma_start3A_161] : memref<320000x128xf32, #tpu.memory_space<hbm>> -> memref<80x128xf32, #tpu.memory_space<hbm>>
          %dma_start3A_163 = arith.constant 0 : i32
          %dma_start3A_164 = tpu.memref_slice %arg5[%add3A_160, %dma_start3A_163] : memref<320000x128xf32, #tpu.memory_space<hbm>> -> memref<80x128xf32, #tpu.memory_space<hbm>>
          tpu.enqueue_dma source(%dma_start3A_164 : memref<80x128xf32, #tpu.memory_space<hbm>>) target(%arg12 : memref<80x128xf32, #tpu.memory_space<vmem>>) target_semaphore(%arg17 : memref<!tpu.dma_semaphore, #tpu.memory_space<semaphore_mem>>)
        } else {
        }
        %dma_wait3A_129 = arith.constant 0 : i32
        %dma_wait3A_130 = tpu.memref_slice %arg8[%add3A_124, %dma_wait3A_129] : memref<32x80xi32, #tpu.memory_space<vmem>> -> memref<1x80xi32, #tpu.memory_space<vmem>>
        %dma_wait3A_131 = tpu.memref_squeeze %dma_wait3A_130 : memref<1x80xi32, #tpu.memory_space<vmem>> -> memref<80xi32, #tpu.memory_space<vmem>>
        %dma_wait3A_132 = arith.constant 0 : i32
        %dma_wait3A_133 = arith.constant 0 : i32
        %dma_wait3A_134 = tpu.memref_slice %arg2[%dma_wait3A_132, %dma_wait3A_133] : memref<10000x128xf32, #tpu.memory_space<hbm>> -> memref<10000x128xf32, #tpu.memory_space<hbm>>
        tpu.wait_indirect_dma semaphore(%arg16 : memref<!tpu.dma_semaphore, #tpu.memory_space<semaphore_mem>>) src(%dma_wait3A_134 : memref<10000x128xf32, #tpu.memory_space<hbm>>) dst(%arg11 : memref<80x128xf32, #tpu.memory_space<vmem>>)
        %mul3A_135 = arith.constant 80 : i32
        %mul3A_136 = arith.muli %add3A_124, %mul3A_135 : i32
        %add3A_137 = arith.addi %add3A_62, %mul3A_136 : i32
        %dma_wait3A_138 = arith.constant 0 : i32
        %dma_wait3A_139 = tpu.memref_slice %arg5[%add3A_137, %dma_wait3A_138] : memref<320000x128xf32, #tpu.memory_space<hbm>> -> memref<80x128xf32, #tpu.memory_space<hbm>>
        %dma_wait3A_140 = arith.constant 0 : i32
        %dma_wait3A_141 = tpu.memref_slice %arg5[%add3A_137, %dma_wait3A_140] : memref<320000x128xf32, #tpu.memory_space<hbm>> -> memref<80x128xf32, #tpu.memory_space<hbm>>
        tpu.wait_dma2 semaphore(%arg18 : memref<!tpu.dma_semaphore, #tpu.memory_space<semaphore_mem>>) src(%dma_wait3A_141 : memref<80x128xf32, #tpu.memory_space<hbm>>) dst(%arg13 : memref<80x128xf32, #tpu.memory_space<vmem>>)
        %scan3A_142 = arith.constant 0 : i32
        %scan3A_143 = arith.constant 0 : i32
        %scan3A_144 = arith.constant 80 : i32
        %scan3A_145 = arith.addi %scan3A_143, %scan3A_144 : i32
        %scan3A_146 = arith.constant 1 : i32
        scf.for %scan3A_148 = %scan3A_143 to %scan3A_145 step %scan3A_146  : i32 {
          %get3A = arith.index_cast %scan3A_148 : i32 to index
          %get3A_149 = arith.constant 0 : index
          %get3A_150 = tpu.vector_load %arg11[%get3A, %get3A_149] {strides = array<i32>} : memref<80x128xf32, #tpu.memory_space<vmem>>, vector<1x16xf32>,
          %get3A_151 = vector.shape_cast %get3A_150 : vector<1x16xf32> to vector<16xf32>
          %get3A_152 = arith.index_cast %scan3A_148 : i32 to index
          %get3A_153 = arith.constant 0 : index
          %get3A_154 = tpu.vector_load %arg13[%get3A_152, %get3A_153] {strides = array<i32>} : memref<80x128xf32, #tpu.memory_space<vmem>>, vector<1x16xf32>,
          %get3A_155 = vector.shape_cast %get3A_154 : vector<1x16xf32> to vector<16xf32>
          %add3A_156 = arith.addf %get3A_151, %get3A_155 : vector<16xf32>
          %max3A = arith.constant 0.000000e+00 : f32
          %max3A_157 = vector.broadcast %max3A : f32 to vector<16xf32>
          %max3A_158 = arith.maximumf %add3A_156, %max3A_157 : vector<16xf32>
          %swap3A = arith.index_cast %scan3A_148 : i32 to index
          %swap3A_159 = arith.constant 0 : index
          %swap3A_160 = tpu.vector_load %arg11[%swap3A, %swap3A_159] {strides = array<i32>} : memref<80x128xf32, #tpu.memory_space<vmem>>, vector<1x16xf32>,
          %swap3A_161 = vector.shape_cast %swap3A_160 : vector<1x16xf32> to vector<16xf32>
          %swap3A_162 = vector.shape_cast %max3A_158 : vector<16xf32> to vector<1x16xf32>
          tpu.vector_store %arg11[%swap3A, %swap3A_159], %swap3A_162 {strides = array<i32>} : memref<80x128xf32, #tpu.memory_space<vmem>>, vector<1x16xf32>,
          %get3A_163 = arith.index_cast %scan3A_148 : i32 to index
          %get3A_164 = arith.constant 16 : index
          %get3A_165 = tpu.vector_load %arg11[%get3A_163, %get3A_164] {strides = array<i32>} : memref<80x128xf32, #tpu.memory_space<vmem>>, vector<1x16xf32>,
          %get3A_166 = vector.shape_cast %get3A_165 : vector<1x16xf32> to vector<16xf32>
          %get3A_167 = arith.index_cast %scan3A_148 : i32 to index
          %get3A_168 = arith.constant 16 : index
          %get3A_169 = tpu.vector_load %arg13[%get3A_167, %get3A_168] {strides = array<i32>} : memref<80x128xf32, #tpu.memory_space<vmem>>, vector<1x16xf32>,
          %get3A_170 = vector.shape_cast %get3A_169 : vector<1x16xf32> to vector<16xf32>
          %add3A_171 = arith.addf %get3A_166, %get3A_170 : vector<16xf32>
          %max3A_172 = arith.constant 0.000000e+00 : f32
          %max3A_173 = vector.broadcast %max3A_172 : f32 to vector<16xf32>
          %max3A_174 = arith.maximumf %add3A_171, %max3A_173 : vector<16xf32>
          %swap3A_175 = arith.index_cast %scan3A_148 : i32 to index
          %swap3A_176 = arith.constant 16 : index
          %swap3A_177 = tpu.vector_load %arg11[%swap3A_175, %swap3A_176] {strides = array<i32>} : memref<80x128xf32, #tpu.memory_space<vmem>>, vector<1x16xf32>,
          %swap3A_178 = vector.shape_cast %swap3A_177 : vector<1x16xf32> to vector<16xf32>
          %swap3A_179 = vector.shape_cast %max3A_174 : vector<16xf32> to vector<1x16xf32>
          tpu.vector_store %arg11[%swap3A_175, %swap3A_176], %swap3A_179 {strides = array<i32>} : memref<80x128xf32, #tpu.memory_space<vmem>>, vector<1x16xf32>,
          %get3A_180 = arith.index_cast %scan3A_148 : i32 to index
          %get3A_181 = arith.constant 32 : index
          %get3A_182 = tpu.vector_load %arg11[%get3A_180, %get3A_181] {strides = array<i32>} : memref<80x128xf32, #tpu.memory_space<vmem>>, vector<1x16xf32>,
          %get3A_183 = vector.shape_cast %get3A_182 : vector<1x16xf32> to vector<16xf32>
          %get3A_184 = arith.index_cast %scan3A_148 : i32 to index
          %get3A_185 = arith.constant 32 : index
          %get3A_186 = tpu.vector_load %arg13[%get3A_184, %get3A_185] {strides = array<i32>} : memref<80x128xf32, #tpu.memory_space<vmem>>, vector<1x16xf32>,
          %get3A_187 = vector.shape_cast %get3A_186 : vector<1x16xf32> to vector<16xf32>
          %add3A_188 = arith.addf %get3A_183, %get3A_187 : vector<16xf32>
          %max3A_189 = arith.constant 0.000000e+00 : f32
          %max3A_190 = vector.broadcast %max3A_189 : f32 to vector<16xf32>
          %max3A_191 = arith.maximumf %add3A_188, %max3A_190 : vector<16xf32>
          %swap3A_192 = arith.index_cast %scan3A_148 : i32 to index
          %swap3A_193 = arith.constant 32 : index
          %swap3A_194 = tpu.vector_load %arg11[%swap3A_192, %swap3A_193] {strides = array<i32>} : memref<80x128xf32, #tpu.memory_space<vmem>>, vector<1x16xf32>,
          %swap3A_195 = vector.shape_cast %swap3A_194 : vector<1x16xf32> to vector<16xf32>
          %swap3A_196 = vector.shape_cast %max3A_191 : vector<16xf32> to vector<1x16xf32>
          tpu.vector_store %arg11[%swap3A_192, %swap3A_193], %swap3A_196 {strides = array<i32>} : memref<80x128xf32, #tpu.memory_space<vmem>>, vector<1x16xf32>,
          %get3A_197 = arith.index_cast %scan3A_148 : i32 to index
          %get3A_198 = arith.constant 48 : index
          %get3A_199 = tpu.vector_load %arg11[%get3A_197, %get3A_198] {strides = array<i32>} : memref<80x128xf32, #tpu.memory_space<vmem>>, vector<1x16xf32>,
          %get3A_200 = vector.shape_cast %get3A_199 : vector<1x16xf32> to vector<16xf32>
          %get3A_201 = arith.index_cast %scan3A_148 : i32 to index
          %get3A_202 = arith.constant 48 : index
          %get3A_203 = tpu.vector_load %arg13[%get3A_201, %get3A_202] {strides = array<i32>} : memref<80x128xf32, #tpu.memory_space<vmem>>, vector<1x16xf32>,
          %get3A_204 = vector.shape_cast %get3A_203 : vector<1x16xf32> to vector<16xf32>
          %add3A_205 = arith.addf %get3A_200, %get3A_204 : vector<16xf32>
          %max3A_206 = arith.constant 0.000000e+00 : f32
          %max3A_207 = vector.broadcast %max3A_206 : f32 to vector<16xf32>
          %max3A_208 = arith.maximumf %add3A_205, %max3A_207 : vector<16xf32>
          %swap3A_209 = arith.index_cast %scan3A_148 : i32 to index
          %swap3A_210 = arith.constant 48 : index
          %swap3A_211 = tpu.vector_load %arg11[%swap3A_209, %swap3A_210] {strides = array<i32>} : memref<80x128xf32, #tpu.memory_space<vmem>>, vector<1x16xf32>,
          %swap3A_212 = vector.shape_cast %swap3A_211 : vector<1x16xf32> to vector<16xf32>
          %swap3A_213 = vector.shape_cast %max3A_208 : vector<16xf32> to vector<1x16xf32>
          tpu.vector_store %arg11[%swap3A_209, %swap3A_210], %swap3A_213 {strides = array<i32>} : memref<80x128xf32, #tpu.memory_space<vmem>>, vector<1x16xf32>,
          %get3A_214 = arith.index_cast %scan3A_148 : i32 to index
          %get3A_215 = arith.constant 64 : index
          %get3A_216 = tpu.vector_load %arg11[%get3A_214, %get3A_215] {strides = array<i32>} : memref<80x128xf32, #tpu.memory_space<vmem>>, vector<1x16xf32>,
          %get3A_217 = vector.shape_cast %get3A_216 : vector<1x16xf32> to vector<16xf32>
          %get3A_218 = arith.index_cast %scan3A_148 : i32 to index
          %get3A_219 = arith.constant 64 : index
          %get3A_220 = tpu.vector_load %arg13[%get3A_218, %get3A_219] {strides = array<i32>} : memref<80x128xf32, #tpu.memory_space<vmem>>, vector<1x16xf32>,
          %get3A_221 = vector.shape_cast %get3A_220 : vector<1x16xf32> to vector<16xf32>
          %add3A_222 = arith.addf %get3A_217, %get3A_221 : vector<16xf32>
          %max3A_223 = arith.constant 0.000000e+00 : f32
          %max3A_224 = vector.broadcast %max3A_223 : f32 to vector<16xf32>
          %max3A_225 = arith.maximumf %add3A_222, %max3A_224 : vector<16xf32>
          %swap3A_226 = arith.index_cast %scan3A_148 : i32 to index
          %swap3A_227 = arith.constant 64 : index
          %swap3A_228 = tpu.vector_load %arg11[%swap3A_226, %swap3A_227] {strides = array<i32>} : memref<80x128xf32, #tpu.memory_space<vmem>>, vector<1x16xf32>,
          %swap3A_229 = vector.shape_cast %swap3A_228 : vector<1x16xf32> to vector<16xf32>
          %swap3A_230 = vector.shape_cast %max3A_225 : vector<16xf32> to vector<1x16xf32>
          tpu.vector_store %arg11[%swap3A_226, %swap3A_227], %swap3A_230 {strides = array<i32>} : memref<80x128xf32, #tpu.memory_space<vmem>>, vector<1x16xf32>,
          %get3A_231 = arith.index_cast %scan3A_148 : i32 to index
          %get3A_232 = arith.constant 80 : index
          %get3A_233 = tpu.vector_load %arg11[%get3A_231, %get3A_232] {strides = array<i32>} : memref<80x128xf32, #tpu.memory_space<vmem>>, vector<1x16xf32>,
          %get3A_234 = vector.shape_cast %get3A_233 : vector<1x16xf32> to vector<16xf32>
          %get3A_235 = arith.index_cast %scan3A_148 : i32 to index
          %get3A_236 = arith.constant 80 : index
          %get3A_237 = tpu.vector_load %arg13[%get3A_235, %get3A_236] {strides = array<i32>} : memref<80x128xf32, #tpu.memory_space<vmem>>, vector<1x16xf32>,
          %get3A_238 = vector.shape_cast %get3A_237 : vector<1x16xf32> to vector<16xf32>
          %add3A_239 = arith.addf %get3A_234, %get3A_238 : vector<16xf32>
          %max3A_240 = arith.constant 0.000000e+00 : f32
          %max3A_241 = vector.broadcast %max3A_240 : f32 to vector<16xf32>
          %max3A_242 = arith.maximumf %add3A_239, %max3A_241 : vector<16xf32>
          %swap3A_243 = arith.index_cast %scan3A_148 : i32 to index
          %swap3A_244 = arith.constant 80 : index
          %swap3A_245 = tpu.vector_load %arg11[%swap3A_243, %swap3A_244] {strides = array<i32>} : memref<80x128xf32, #tpu.memory_space<vmem>>, vector<1x16xf32>,
          %swap3A_246 = vector.shape_cast %swap3A_245 : vector<1x16xf32> to vector<16xf32>
          %swap3A_247 = vector.shape_cast %max3A_242 : vector<16xf32> to vector<1x16xf32>
          tpu.vector_store %arg11[%swap3A_243, %swap3A_244], %swap3A_247 {strides = array<i32>} : memref<80x128xf32, #tpu.memory_space<vmem>>, vector<1x16xf32>,
          %get3A_248 = arith.index_cast %scan3A_148 : i32 to index
          %get3A_249 = arith.constant 96 : index
          %get3A_250 = tpu.vector_load %arg11[%get3A_248, %get3A_249] {strides = array<i32>} : memref<80x128xf32, #tpu.memory_space<vmem>>, vector<1x16xf32>,
          %get3A_251 = vector.shape_cast %get3A_250 : vector<1x16xf32> to vector<16xf32>
          %get3A_252 = arith.index_cast %scan3A_148 : i32 to index
          %get3A_253 = arith.constant 96 : index
          %get3A_254 = tpu.vector_load %arg13[%get3A_252, %get3A_253] {strides = array<i32>} : memref<80x128xf32, #tpu.memory_space<vmem>>, vector<1x16xf32>,
          %get3A_255 = vector.shape_cast %get3A_254 : vector<1x16xf32> to vector<16xf32>
          %add3A_256 = arith.addf %get3A_251, %get3A_255 : vector<16xf32>
          %max3A_257 = arith.constant 0.000000e+00 : f32
          %max3A_258 = vector.broadcast %max3A_257 : f32 to vector<16xf32>
          %max3A_259 = arith.maximumf %add3A_256, %max3A_258 : vector<16xf32>
          %swap3A_260 = arith.index_cast %scan3A_148 : i32 to index
          %swap3A_261 = arith.constant 96 : index
          %swap3A_262 = tpu.vector_load %arg11[%swap3A_260, %swap3A_261] {strides = array<i32>} : memref<80x128xf32, #tpu.memory_space<vmem>>, vector<1x16xf32>,
          %swap3A_263 = vector.shape_cast %swap3A_262 : vector<1x16xf32> to vector<16xf32>
          %swap3A_264 = vector.shape_cast %max3A_259 : vector<16xf32> to vector<1x16xf32>
          tpu.vector_store %arg11[%swap3A_260, %swap3A_261], %swap3A_264 {strides = array<i32>} : memref<80x128xf32, #tpu.memory_space<vmem>>, vector<1x16xf32>,
          %get3A_265 = arith.index_cast %scan3A_148 : i32 to index
          %get3A_266 = arith.constant 112 : index
          %get3A_267 = tpu.vector_load %arg11[%get3A_265, %get3A_266] {strides = array<i32>} : memref<80x128xf32, #tpu.memory_space<vmem>>, vector<1x16xf32>,
          %get3A_268 = vector.shape_cast %get3A_267 : vector<1x16xf32> to vector<16xf32>
          %get3A_269 = arith.index_cast %scan3A_148 : i32 to index
          %get3A_270 = arith.constant 112 : index
          %get3A_271 = tpu.vector_load %arg13[%get3A_269, %get3A_270] {strides = array<i32>} : memref<80x128xf32, #tpu.memory_space<vmem>>, vector<1x16xf32>,
          %get3A_272 = vector.shape_cast %get3A_271 : vector<1x16xf32> to vector<16xf32>
          %add3A_273 = arith.addf %get3A_268, %get3A_272 : vector<16xf32>
          %max3A_274 = arith.constant 0.000000e+00 : f32
          %max3A_275 = vector.broadcast %max3A_274 : f32 to vector<16xf32>
          %max3A_276 = arith.maximumf %add3A_273, %max3A_275 : vector<16xf32>
          %swap3A_277 = arith.index_cast %scan3A_148 : i32 to index
          %swap3A_278 = arith.constant 112 : index
          %swap3A_279 = tpu.vector_load %arg11[%swap3A_277, %swap3A_278] {strides = array<i32>} : memref<80x128xf32, #tpu.memory_space<vmem>>, vector<1x16xf32>,
          %swap3A_280 = vector.shape_cast %swap3A_279 : vector<1x16xf32> to vector<16xf32>
          %swap3A_281 = vector.shape_cast %max3A_276 : vector<16xf32> to vector<1x16xf32>
          tpu.vector_store %arg11[%swap3A_277, %swap3A_278], %swap3A_281 {strides = array<i32>} : memref<80x128xf32, #tpu.memory_space<vmem>>, vector<1x16xf32>,
        }
        %scan3A_147 = arith.constant 80 : i32
        "tpu.region"() ({
          %run_scoped3A = tpu.sem_alloc : memref<!tpu.dma_semaphore, #tpu.memory_space<semaphore_mem>>
          %dma_start3A_148 = arith.constant 0 : i32
          %dma_start3A_149 = tpu.memref_slice %arg9[%add3A_124, %dma_start3A_148] : memref<32x80xi32, #tpu.memory_space<vmem>> -> memref<1x80xi32, #tpu.memory_space<vmem>>
          %dma_start3A_150 = tpu.memref_squeeze %dma_start3A_149 : memref<1x80xi32, #tpu.memory_space<vmem>> -> memref<80xi32, #tpu.memory_space<vmem>>
          %dma_start3A_151 = arith.constant 0 : i32
          %dma_start3A_152 = arith.constant 0 : i32
          %dma_start3A_153 = tpu.memref_slice %arg14[%dma_start3A_151, %dma_start3A_152] : memref<10000x128xf32, #tpu.memory_space<vmem_shared>> -> memref<10000x128xf32, #tpu.memory_space<vmem_shared>>
          tpu.enqueue_indirect_dma source(%arg11 : memref<80x128xf32, #tpu.memory_space<vmem>>) target(%dma_start3A_153 : memref<10000x128xf32, #tpu.memory_space<vmem_shared>>) offsets(%dma_start3A_150 : memref<80xi32, #tpu.memory_space<vmem>>) semaphore(%run_scoped3A : memref<!tpu.dma_semaphore, #tpu.memory_space<semaphore_mem>>) {add = true}
          %dma_wait3A_154 = arith.constant 0 : i32
          %dma_wait3A_155 = tpu.memref_slice %arg9[%add3A_124, %dma_wait3A_154] : memref<32x80xi32, #tpu.memory_space<vmem>> -> memref<1x80xi32, #tpu.memory_space<vmem>>
          %dma_wait3A_156 = tpu.memref_squeeze %dma_wait3A_155 : memref<1x80xi32, #tpu.memory_space<vmem>> -> memref<80xi32, #tpu.memory_space<vmem>>
          %dma_wait3A_157 = arith.constant 0 : i32
          %dma_wait3A_158 = arith.constant 0 : i32
          %dma_wait3A_159 = tpu.memref_slice %arg14[%dma_wait3A_157, %dma_wait3A_158] : memref<10000x128xf32, #tpu.memory_space<vmem_shared>> -> memref<10000x128xf32, #tpu.memory_space<vmem_shared>>
          tpu.wait_indirect_dma semaphore(%run_scoped3A : memref<!tpu.dma_semaphore, #tpu.memory_space<semaphore_mem>>) src(%arg11 : memref<80x128xf32, #tpu.memory_space<vmem>>) dst(%dma_wait3A_159 : memref<10000x128xf32, #tpu.memory_space<vmem_shared>>)
          tpu.yield
        }) : () -> ()
      }
      %scan3A_80 = arith.constant 16 : i32
    }
    %while3A_40 = arith.constant 1 : i32
    scf.for %while3A_52 = %while3A_38 to %while3A_34 step %while3A_40  : i32 {
      %mul3A_53 = arith.constant 128 : i32
      %mul3A_54 = arith.muli %add3A, %mul3A_53 : i32
      %mul3A_55 = arith.constant 32 : i32
      %mul3A_56 = arith.muli %while3A_52, %mul3A_55 : i32
      %add3A_57 = arith.addi %mul3A_54, %mul3A_56 : i32
      "tpu.region"() ({
        %run_scoped3A = tpu.sem_alloc : memref<!tpu.dma_semaphore, #tpu.memory_space<semaphore_mem>>
        %dma_start3A_81 = arith.constant 0 : i32
        %dma_start3A_82 = tpu.memref_slice %arg3[%add3A_57, %dma_start3A_81] : memref<4000x80xi32, #tpu.memory_space<hbm>> -> memref<32x80xi32, #tpu.memory_space<hbm>>
        %dma_start3A_83 = arith.constant 0 : i32
        %dma_start3A_84 = tpu.memref_slice %arg3[%add3A_57, %dma_start3A_83] : memref<4000x80xi32, #tpu.memory_space<hbm>> -> memref<32x80xi32, #tpu.memory_space<hbm>>
        tpu.enqueue_dma source(%dma_start3A_84 : memref<32x80xi32, #tpu.memory_space<hbm>>) target(%arg8 : memref<32x80xi32, #tpu.memory_space<vmem>>) target_semaphore(%run_scoped3A : memref<!tpu.dma_semaphore, #tpu.memory_space<semaphore_mem>>)
        %dma_wait3A = arith.constant 0 : i32
        %dma_wait3A_85 = tpu.memref_slice %arg3[%add3A_57, %dma_wait3A] : memref<4000x80xi32, #tpu.memory_space<hbm>> -> memref<32x80xi32, #tpu.memory_space<hbm>>
        %dma_wait3A_86 = arith.constant 0 : i32
        %dma_wait3A_87 = tpu.memref_slice %arg3[%add3A_57, %dma_wait3A_86] : memref<4000x80xi32, #tpu.memory_space<hbm>> -> memref<32x80xi32, #tpu.memory_space<hbm>>
        tpu.wait_dma2 semaphore(%run_scoped3A : memref<!tpu.dma_semaphore, #tpu.memory_space<semaphore_mem>>) src(%dma_wait3A_87 : memref<32x80xi32, #tpu.memory_space<hbm>>) dst(%arg8 : memref<32x80xi32, #tpu.memory_space<vmem>>)
        tpu.yield
      }) : () -> ()
      "tpu.region"() ({
        %run_scoped3A = tpu.sem_alloc : memref<!tpu.dma_semaphore, #tpu.memory_space<semaphore_mem>>
        %dma_start3A_81 = arith.constant 0 : i32
        %dma_start3A_82 = tpu.memref_slice %arg4[%add3A_57, %dma_start3A_81] : memref<4000x80xi32, #tpu.memory_space<hbm>> -> memref<32x80xi32, #tpu.memory_space<hbm>>
        %dma_start3A_83 = arith.constant 0 : i32
        %dma_start3A_84 = tpu.memref_slice %arg4[%add3A_57, %dma_start3A_83] : memref<4000x80xi32, #tpu.memory_space<hbm>> -> memref<32x80xi32, #tpu.memory_space<hbm>>
        tpu.enqueue_dma source(%dma_start3A_84 : memref<32x80xi32, #tpu.memory_space<hbm>>) target(%arg9 : memref<32x80xi32, #tpu.memory_space<vmem>>) target_semaphore(%run_scoped3A : memref<!tpu.dma_semaphore, #tpu.memory_space<semaphore_mem>>)
        %dma_wait3A = arith.constant 0 : i32
        %dma_wait3A_85 = tpu.memref_slice %arg4[%add3A_57, %dma_wait3A] : memref<4000x80xi32, #tpu.memory_space<hbm>> -> memref<32x80xi32, #tpu.memory_space<hbm>>
        %dma_wait3A_86 = arith.constant 0 : i32
        %dma_wait3A_87 = tpu.memref_slice %arg4[%add3A_57, %dma_wait3A_86] : memref<4000x80xi32, #tpu.memory_space<hbm>> -> memref<32x80xi32, #tpu.memory_space<hbm>>
        tpu.wait_dma2 semaphore(%run_scoped3A : memref<!tpu.dma_semaphore, #tpu.memory_space<semaphore_mem>>) src(%dma_wait3A_87 : memref<32x80xi32, #tpu.memory_space<hbm>>) dst(%arg9 : memref<32x80xi32, #tpu.memory_space<vmem>>)
        tpu.yield
      }) : () -> ()
      %mul3A_58 = arith.constant 32 : i32
      %mul3A_59 = arith.muli %while3A_52, %mul3A_58 : i32
      %mul3A_60 = arith.constant 80 : i32
      %mul3A_61 = arith.muli %mul3A_59, %mul3A_60 : i32
      %add3A_62 = arith.addi %mul3A_28, %mul3A_61 : i32
      %dma_start3A = arith.constant 0 : i32
      %dma_start3A_63 = arith.constant 0 : i32
      %dma_start3A_64 = tpu.memref_slice %arg8[%dma_start3A, %dma_start3A_63] : memref<32x80xi32, #tpu.memory_space<vmem>> -> memref<1x80xi32, #tpu.memory_space<vmem>>
      %dma_start3A_65 = tpu.memref_squeeze %dma_start3A_64 : memref<1x80xi32, #tpu.memory_space<vmem>> -> memref<80xi32, #tpu.memory_space<vmem>>
      %dma_start3A_66 = arith.constant 0 : i32
      %dma_start3A_67 = arith.constant 0 : i32
      %dma_start3A_68 = tpu.memref_slice %arg2[%dma_start3A_66, %dma_start3A_67] : memref<10000x128xf32, #tpu.memory_space<hbm>> -> memref<10000x128xf32, #tpu.memory_space<hbm>>
      tpu.enqueue_indirect_dma source(%dma_start3A_68 : memref<10000x128xf32, #tpu.memory_space<hbm>>) target(%arg10 : memref<80x128xf32, #tpu.memory_space<vmem>>) offsets(%dma_start3A_65 : memref<80xi32, #tpu.memory_space<vmem>>) semaphore(%arg15 : memref<!tpu.dma_semaphore, #tpu.memory_space<semaphore_mem>>)
      %add3A_69 = arith.constant 0 : i32
      %add3A_70 = arith.addi %add3A_62, %add3A_69 : i32
      %dma_start3A_71 = arith.constant 0 : i32
      %dma_start3A_72 = tpu.memref_slice %arg5[%add3A_70, %dma_start3A_71] : memref<320000x128xf32, #tpu.memory_space<hbm>> -> memref<80x128xf32, #tpu.memory_space<hbm>>
      %dma_start3A_73 = arith.constant 0 : i32
      %dma_start3A_74 = tpu.memref_slice %arg5[%add3A_70, %dma_start3A_73] : memref<320000x128xf32, #tpu.memory_space<hbm>> -> memref<80x128xf32, #tpu.memory_space<hbm>>
      tpu.enqueue_dma source(%dma_start3A_74 : memref<80x128xf32, #tpu.memory_space<hbm>>) target(%arg12 : memref<80x128xf32, #tpu.memory_space<vmem>>) target_semaphore(%arg17 : memref<!tpu.dma_semaphore, #tpu.memory_space<semaphore_mem>>)
      %scan3A_75 = arith.constant 0 : i32
      %scan3A_76 = arith.constant 0 : i32
      %scan3A_77 = arith.constant 16 : i32
      %scan3A_78 = arith.addi %scan3A_76, %scan3A_77 : i32
      %scan3A_79 = arith.constant 1 : i32
      scf.for %scan3A_81 = %scan3A_76 to %scan3A_78 step %scan3A_79  : i32 {
        %mul3A_82 = arith.constant 2 : i32
        %mul3A_83 = arith.muli %mul3A_82, %scan3A_81 : i32
        %add3A_84 = arith.constant 0 : i32
        %add3A_85 = arith.addi %mul3A_83, %add3A_84 : i32
        %add3A_86 = arith.constant 1 : i32
        %add3A_87 = arith.addi %add3A_85, %add3A_86 : i32
        %dma_start3A_88 = arith.constant 0 : i32
        %dma_start3A_89 = tpu.memref_slice %arg8[%add3A_87, %dma_start3A_88] : memref<32x80xi32, #tpu.memory_space<vmem>> -> memref<1x80xi32, #tpu.memory_space<vmem>>
        %dma_start3A_90 = tpu.memref_squeeze %dma_start3A_89 : memref<1x80xi32, #tpu.memory_space<vmem>> -> memref<80xi32, #tpu.memory_space<vmem>>
        %dma_start3A_91 = arith.constant 0 : i32
        %dma_start3A_92 = arith.constant 0 : i32
        %dma_start3A_93 = tpu.memref_slice %arg2[%dma_start3A_91, %dma_start3A_92] : memref<10000x128xf32, #tpu.memory_space<hbm>> -> memref<10000x128xf32, #tpu.memory_space<hbm>>
        tpu.enqueue_indirect_dma source(%dma_start3A_93 : memref<10000x128xf32, #tpu.memory_space<hbm>>) target(%arg11 : memref<80x128xf32, #tpu.memory_space<vmem>>) offsets(%dma_start3A_90 : memref<80xi32, #tpu.memory_space<vmem>>) semaphore(%arg16 : memref<!tpu.dma_semaphore, #tpu.memory_space<semaphore_mem>>)
        %add3A_94 = arith.constant 1 : i32
        %add3A_95 = arith.addi %add3A_85, %add3A_94 : i32
        %mul3A_96 = arith.constant 80 : i32
        %mul3A_97 = arith.muli %add3A_95, %mul3A_96 : i32
        %add3A_98 = arith.addi %add3A_62, %mul3A_97 : i32
        %dma_start3A_99 = arith.constant 0 : i32
        %dma_start3A_100 = tpu.memref_slice %arg5[%add3A_98, %dma_start3A_99] : memref<320000x128xf32, #tpu.memory_space<hbm>> -> memref<80x128xf32, #tpu.memory_space<hbm>>
        %dma_start3A_101 = arith.constant 0 : i32
        %dma_start3A_102 = tpu.memref_slice %arg5[%add3A_98, %dma_start3A_101] : memref<320000x128xf32, #tpu.memory_space<hbm>> -> memref<80x128xf32, #tpu.memory_space<hbm>>
        tpu.enqueue_dma source(%dma_start3A_102 : memref<80x128xf32, #tpu.memory_space<hbm>>) target(%arg13 : memref<80x128xf32, #tpu.memory_space<vmem>>) target_semaphore(%arg18 : memref<!tpu.dma_semaphore, #tpu.memory_space<semaphore_mem>>)
        %dma_wait3A = arith.constant 0 : i32
        %dma_wait3A_103 = tpu.memref_slice %arg8[%add3A_85, %dma_wait3A] : memref<32x80xi32, #tpu.memory_space<vmem>> -> memref<1x80xi32, #tpu.memory_space<vmem>>
        %dma_wait3A_104 = tpu.memref_squeeze %dma_wait3A_103 : memref<1x80xi32, #tpu.memory_space<vmem>> -> memref<80xi32, #tpu.memory_space<vmem>>
        %dma_wait3A_105 = arith.constant 0 : i32
        %dma_wait3A_106 = arith.constant 0 : i32
        %dma_wait3A_107 = tpu.memref_slice %arg2[%dma_wait3A_105, %dma_wait3A_106] : memref<10000x128xf32, #tpu.memory_space<hbm>> -> memref<10000x128xf32, #tpu.memory_space<hbm>>
        tpu.wait_indirect_dma semaphore(%arg15 : memref<!tpu.dma_semaphore, #tpu.memory_space<semaphore_mem>>) src(%dma_wait3A_107 : memref<10000x128xf32, #tpu.memory_space<hbm>>) dst(%arg10 : memref<80x128xf32, #tpu.memory_space<vmem>>)
        %mul3A_108 = arith.constant 80 : i32
        %mul3A_109 = arith.muli %add3A_85, %mul3A_108 : i32
        %add3A_110 = arith.addi %add3A_62, %mul3A_109 : i32
        %dma_wait3A_111 = arith.constant 0 : i32
        %dma_wait3A_112 = tpu.memref_slice %arg5[%add3A_110, %dma_wait3A_111] : memref<320000x128xf32, #tpu.memory_space<hbm>> -> memref<80x128xf32, #tpu.memory_space<hbm>>
        %dma_wait3A_113 = arith.constant 0 : i32
        %dma_wait3A_114 = tpu.memref_slice %arg5[%add3A_110, %dma_wait3A_113] : memref<320000x128xf32, #tpu.memory_space<hbm>> -> memref<80x128xf32, #tpu.memory_space<hbm>>
        tpu.wait_dma2 semaphore(%arg17 : memref<!tpu.dma_semaphore, #tpu.memory_space<semaphore_mem>>) src(%dma_wait3A_114 : memref<80x128xf32, #tpu.memory_space<hbm>>) dst(%arg12 : memref<80x128xf32, #tpu.memory_space<vmem>>)
        %scan3A_115 = arith.constant 0 : i32
        %scan3A_116 = arith.constant 0 : i32
        %scan3A_117 = arith.constant 80 : i32
        %scan3A_118 = arith.addi %scan3A_116, %scan3A_117 : i32
        %scan3A_119 = arith.constant 1 : i32
        scf.for %scan3A_148 = %scan3A_116 to %scan3A_118 step %scan3A_119  : i32 {
          %get3A = arith.index_cast %scan3A_148 : i32 to index
          %get3A_149 = arith.constant 0 : index
          %get3A_150 = tpu.vector_load %arg10[%get3A, %get3A_149] {strides = array<i32>} : memref<80x128xf32, #tpu.memory_space<vmem>>, vector<1x16xf32>,
          %get3A_151 = vector.shape_cast %get3A_150 : vector<1x16xf32> to vector<16xf32>
          %get3A_152 = arith.index_cast %scan3A_148 : i32 to index
          %get3A_153 = arith.constant 0 : index
          %get3A_154 = tpu.vector_load %arg12[%get3A_152, %get3A_153] {strides = array<i32>} : memref<80x128xf32, #tpu.memory_space<vmem>>, vector<1x16xf32>,
          %get3A_155 = vector.shape_cast %get3A_154 : vector<1x16xf32> to vector<16xf32>
          %add3A_156 = arith.addf %get3A_151, %get3A_155 : vector<16xf32>
          %max3A = arith.constant 0.000000e+00 : f32
          %max3A_157 = vector.broadcast %max3A : f32 to vector<16xf32>
          %max3A_158 = arith.maximumf %add3A_156, %max3A_157 : vector<16xf32>
          %swap3A = arith.index_cast %scan3A_148 : i32 to index
          %swap3A_159 = arith.constant 0 : index
          %swap3A_160 = tpu.vector_load %arg10[%swap3A, %swap3A_159] {strides = array<i32>} : memref<80x128xf32, #tpu.memory_space<vmem>>, vector<1x16xf32>,
          %swap3A_161 = vector.shape_cast %swap3A_160 : vector<1x16xf32> to vector<16xf32>
          %swap3A_162 = vector.shape_cast %max3A_158 : vector<16xf32> to vector<1x16xf32>
          tpu.vector_store %arg10[%swap3A, %swap3A_159], %swap3A_162 {strides = array<i32>} : memref<80x128xf32, #tpu.memory_space<vmem>>, vector<1x16xf32>,
          %get3A_163 = arith.index_cast %scan3A_148 : i32 to index
          %get3A_164 = arith.constant 16 : index
          %get3A_165 = tpu.vector_load %arg10[%get3A_163, %get3A_164] {strides = array<i32>} : memref<80x128xf32, #tpu.memory_space<vmem>>, vector<1x16xf32>,
          %get3A_166 = vector.shape_cast %get3A_165 : vector<1x16xf32> to vector<16xf32>
          %get3A_167 = arith.index_cast %scan3A_148 : i32 to index
          %get3A_168 = arith.constant 16 : index
          %get3A_169 = tpu.vector_load %arg12[%get3A_167, %get3A_168] {strides = array<i32>} : memref<80x128xf32, #tpu.memory_space<vmem>>, vector<1x16xf32>,
          %get3A_170 = vector.shape_cast %get3A_169 : vector<1x16xf32> to vector<16xf32>
          %add3A_171 = arith.addf %get3A_166, %get3A_170 : vector<16xf32>
          %max3A_172 = arith.constant 0.000000e+00 : f32
          %max3A_173 = vector.broadcast %max3A_172 : f32 to vector<16xf32>
          %max3A_174 = arith.maximumf %add3A_171, %max3A_173 : vector<16xf32>
          %swap3A_175 = arith.index_cast %scan3A_148 : i32 to index
          %swap3A_176 = arith.constant 16 : index
          %swap3A_177 = tpu.vector_load %arg10[%swap3A_175, %swap3A_176] {strides = array<i32>} : memref<80x128xf32, #tpu.memory_space<vmem>>, vector<1x16xf32>,
          %swap3A_178 = vector.shape_cast %swap3A_177 : vector<1x16xf32> to vector<16xf32>
          %swap3A_179 = vector.shape_cast %max3A_174 : vector<16xf32> to vector<1x16xf32>
          tpu.vector_store %arg10[%swap3A_175, %swap3A_176], %swap3A_179 {strides = array<i32>} : memref<80x128xf32, #tpu.memory_space<vmem>>, vector<1x16xf32>,
          %get3A_180 = arith.index_cast %scan3A_148 : i32 to index
          %get3A_181 = arith.constant 32 : index
          %get3A_182 = tpu.vector_load %arg10[%get3A_180, %get3A_181] {strides = array<i32>} : memref<80x128xf32, #tpu.memory_space<vmem>>, vector<1x16xf32>,
          %get3A_183 = vector.shape_cast %get3A_182 : vector<1x16xf32> to vector<16xf32>
          %get3A_184 = arith.index_cast %scan3A_148 : i32 to index
          %get3A_185 = arith.constant 32 : index
          %get3A_186 = tpu.vector_load %arg12[%get3A_184, %get3A_185] {strides = array<i32>} : memref<80x128xf32, #tpu.memory_space<vmem>>, vector<1x16xf32>,
          %get3A_187 = vector.shape_cast %get3A_186 : vector<1x16xf32> to vector<16xf32>
          %add3A_188 = arith.addf %get3A_183, %get3A_187 : vector<16xf32>
          %max3A_189 = arith.constant 0.000000e+00 : f32
          %max3A_190 = vector.broadcast %max3A_189 : f32 to vector<16xf32>
          %max3A_191 = arith.maximumf %add3A_188, %max3A_190 : vector<16xf32>
          %swap3A_192 = arith.index_cast %scan3A_148 : i32 to index
          %swap3A_193 = arith.constant 32 : index
          %swap3A_194 = tpu.vector_load %arg10[%swap3A_192, %swap3A_193] {strides = array<i32>} : memref<80x128xf32, #tpu.memory_space<vmem>>, vector<1x16xf32>,
          %swap3A_195 = vector.shape_cast %swap3A_194 : vector<1x16xf32> to vector<16xf32>
          %swap3A_196 = vector.shape_cast %max3A_191 : vector<16xf32> to vector<1x16xf32>
          tpu.vector_store %arg10[%swap3A_192, %swap3A_193], %swap3A_196 {strides = array<i32>} : memref<80x128xf32, #tpu.memory_space<vmem>>, vector<1x16xf32>,
          %get3A_197 = arith.index_cast %scan3A_148 : i32 to index
          %get3A_198 = arith.constant 48 : index
          %get3A_199 = tpu.vector_load %arg10[%get3A_197, %get3A_198] {strides = array<i32>} : memref<80x128xf32, #tpu.memory_space<vmem>>, vector<1x16xf32>,
          %get3A_200 = vector.shape_cast %get3A_199 : vector<1x16xf32> to vector<16xf32>
          %get3A_201 = arith.index_cast %scan3A_148 : i32 to index
          %get3A_202 = arith.constant 48 : index
          %get3A_203 = tpu.vector_load %arg12[%get3A_201, %get3A_202] {strides = array<i32>} : memref<80x128xf32, #tpu.memory_space<vmem>>, vector<1x16xf32>,
          %get3A_204 = vector.shape_cast %get3A_203 : vector<1x16xf32> to vector<16xf32>
          %add3A_205 = arith.addf %get3A_200, %get3A_204 : vector<16xf32>
          %max3A_206 = arith.constant 0.000000e+00 : f32
          %max3A_207 = vector.broadcast %max3A_206 : f32 to vector<16xf32>
          %max3A_208 = arith.maximumf %add3A_205, %max3A_207 : vector<16xf32>
          %swap3A_209 = arith.index_cast %scan3A_148 : i32 to index
          %swap3A_210 = arith.constant 48 : index
          %swap3A_211 = tpu.vector_load %arg10[%swap3A_209, %swap3A_210] {strides = array<i32>} : memref<80x128xf32, #tpu.memory_space<vmem>>, vector<1x16xf32>,
          %swap3A_212 = vector.shape_cast %swap3A_211 : vector<1x16xf32> to vector<16xf32>
          %swap3A_213 = vector.shape_cast %max3A_208 : vector<16xf32> to vector<1x16xf32>
          tpu.vector_store %arg10[%swap3A_209, %swap3A_210], %swap3A_213 {strides = array<i32>} : memref<80x128xf32, #tpu.memory_space<vmem>>, vector<1x16xf32>,
          %get3A_214 = arith.index_cast %scan3A_148 : i32 to index
          %get3A_215 = arith.constant 64 : index
          %get3A_216 = tpu.vector_load %arg10[%get3A_214, %get3A_215] {strides = array<i32>} : memref<80x128xf32, #tpu.memory_space<vmem>>, vector<1x16xf32>,
          %get3A_217 = vector.shape_cast %get3A_216 : vector<1x16xf32> to vector<16xf32>
          %get3A_218 = arith.index_cast %scan3A_148 : i32 to index
          %get3A_219 = arith.constant 64 : index
          %get3A_220 = tpu.vector_load %arg12[%get3A_218, %get3A_219] {strides = array<i32>} : memref<80x128xf32, #tpu.memory_space<vmem>>, vector<1x16xf32>,
          %get3A_221 = vector.shape_cast %get3A_220 : vector<1x16xf32> to vector<16xf32>
          %add3A_222 = arith.addf %get3A_217, %get3A_221 : vector<16xf32>
          %max3A_223 = arith.constant 0.000000e+00 : f32
          %max3A_224 = vector.broadcast %max3A_223 : f32 to vector<16xf32>
          %max3A_225 = arith.maximumf %add3A_222, %max3A_224 : vector<16xf32>
          %swap3A_226 = arith.index_cast %scan3A_148 : i32 to index
          %swap3A_227 = arith.constant 64 : index
          %swap3A_228 = tpu.vector_load %arg10[%swap3A_226, %swap3A_227] {strides = array<i32>} : memref<80x128xf32, #tpu.memory_space<vmem>>, vector<1x16xf32>,
          %swap3A_229 = vector.shape_cast %swap3A_228 : vector<1x16xf32> to vector<16xf32>
          %swap3A_230 = vector.shape_cast %max3A_225 : vector<16xf32> to vector<1x16xf32>
          tpu.vector_store %arg10[%swap3A_226, %swap3A_227], %swap3A_230 {strides = array<i32>} : memref<80x128xf32, #tpu.memory_space<vmem>>, vector<1x16xf32>,
          %get3A_231 = arith.index_cast %scan3A_148 : i32 to index
          %get3A_232 = arith.constant 80 : index
          %get3A_233 = tpu.vector_load %arg10[%get3A_231, %get3A_232] {strides = array<i32>} : memref<80x128xf32, #tpu.memory_space<vmem>>, vector<1x16xf32>,
          %get3A_234 = vector.shape_cast %get3A_233 : vector<1x16xf32> to vector<16xf32>
          %get3A_235 = arith.index_cast %scan3A_148 : i32 to index
          %get3A_236 = arith.constant 80 : index
          %get3A_237 = tpu.vector_load %arg12[%get3A_235, %get3A_236] {strides = array<i32>} : memref<80x128xf32, #tpu.memory_space<vmem>>, vector<1x16xf32>,
          %get3A_238 = vector.shape_cast %get3A_237 : vector<1x16xf32> to vector<16xf32>
          %add3A_239 = arith.addf %get3A_234, %get3A_238 : vector<16xf32>
          %max3A_240 = arith.constant 0.000000e+00 : f32
          %max3A_241 = vector.broadcast %max3A_240 : f32 to vector<16xf32>
          %max3A_242 = arith.maximumf %add3A_239, %max3A_241 : vector<16xf32>
          %swap3A_243 = arith.index_cast %scan3A_148 : i32 to index
          %swap3A_244 = arith.constant 80 : index
          %swap3A_245 = tpu.vector_load %arg10[%swap3A_243, %swap3A_244] {strides = array<i32>} : memref<80x128xf32, #tpu.memory_space<vmem>>, vector<1x16xf32>,
          %swap3A_246 = vector.shape_cast %swap3A_245 : vector<1x16xf32> to vector<16xf32>
          %swap3A_247 = vector.shape_cast %max3A_242 : vector<16xf32> to vector<1x16xf32>
          tpu.vector_store %arg10[%swap3A_243, %swap3A_244], %swap3A_247 {strides = array<i32>} : memref<80x128xf32, #tpu.memory_space<vmem>>, vector<1x16xf32>,
          %get3A_248 = arith.index_cast %scan3A_148 : i32 to index
          %get3A_249 = arith.constant 96 : index
          %get3A_250 = tpu.vector_load %arg10[%get3A_248, %get3A_249] {strides = array<i32>} : memref<80x128xf32, #tpu.memory_space<vmem>>, vector<1x16xf32>,
          %get3A_251 = vector.shape_cast %get3A_250 : vector<1x16xf32> to vector<16xf32>
          %get3A_252 = arith.index_cast %scan3A_148 : i32 to index
          %get3A_253 = arith.constant 96 : index
          %get3A_254 = tpu.vector_load %arg12[%get3A_252, %get3A_253] {strides = array<i32>} : memref<80x128xf32, #tpu.memory_space<vmem>>, vector<1x16xf32>,
          %get3A_255 = vector.shape_cast %get3A_254 : vector<1x16xf32> to vector<16xf32>
          %add3A_256 = arith.addf %get3A_251, %get3A_255 : vector<16xf32>
          %max3A_257 = arith.constant 0.000000e+00 : f32
          %max3A_258 = vector.broadcast %max3A_257 : f32 to vector<16xf32>
          %max3A_259 = arith.maximumf %add3A_256, %max3A_258 : vector<16xf32>
          %swap3A_260 = arith.index_cast %scan3A_148 : i32 to index
          %swap3A_261 = arith.constant 96 : index
          %swap3A_262 = tpu.vector_load %arg10[%swap3A_260, %swap3A_261] {strides = array<i32>} : memref<80x128xf32, #tpu.memory_space<vmem>>, vector<1x16xf32>,
          %swap3A_263 = vector.shape_cast %swap3A_262 : vector<1x16xf32> to vector<16xf32>
          %swap3A_264 = vector.shape_cast %max3A_259 : vector<16xf32> to vector<1x16xf32>
          tpu.vector_store %arg10[%swap3A_260, %swap3A_261], %swap3A_264 {strides = array<i32>} : memref<80x128xf32, #tpu.memory_space<vmem>>, vector<1x16xf32>,
          %get3A_265 = arith.index_cast %scan3A_148 : i32 to index
          %get3A_266 = arith.constant 112 : index
          %get3A_267 = tpu.vector_load %arg10[%get3A_265, %get3A_266] {strides = array<i32>} : memref<80x128xf32, #tpu.memory_space<vmem>>, vector<1x16xf32>,
          %get3A_268 = vector.shape_cast %get3A_267 : vector<1x16xf32> to vector<16xf32>
          %get3A_269 = arith.index_cast %scan3A_148 : i32 to index
          %get3A_270 = arith.constant 112 : index
          %get3A_271 = tpu.vector_load %arg12[%get3A_269, %get3A_270] {strides = array<i32>} : memref<80x128xf32, #tpu.memory_space<vmem>>, vector<1x16xf32>,
          %get3A_272 = vector.shape_cast %get3A_271 : vector<1x16xf32> to vector<16xf32>
          %add3A_273 = arith.addf %get3A_268, %get3A_272 : vector<16xf32>
          %max3A_274 = arith.constant 0.000000e+00 : f32
          %max3A_275 = vector.broadcast %max3A_274 : f32 to vector<16xf32>
          %max3A_276 = arith.maximumf %add3A_273, %max3A_275 : vector<16xf32>
          %swap3A_277 = arith.index_cast %scan3A_148 : i32 to index
          %swap3A_278 = arith.constant 112 : index
          %swap3A_279 = tpu.vector_load %arg10[%swap3A_277, %swap3A_278] {strides = array<i32>} : memref<80x128xf32, #tpu.memory_space<vmem>>, vector<1x16xf32>,
          %swap3A_280 = vector.shape_cast %swap3A_279 : vector<1x16xf32> to vector<16xf32>
          %swap3A_281 = vector.shape_cast %max3A_276 : vector<16xf32> to vector<1x16xf32>
          tpu.vector_store %arg10[%swap3A_277, %swap3A_278], %swap3A_281 {strides = array<i32>} : memref<80x128xf32, #tpu.memory_space<vmem>>, vector<1x16xf32>,
        }
        %scan3A_120 = arith.constant 80 : i32
        "tpu.region"() ({
          %run_scoped3A = tpu.sem_alloc : memref<!tpu.dma_semaphore, #tpu.memory_space<semaphore_mem>>
          %dma_start3A_148 = arith.constant 0 : i32
          %dma_start3A_149 = tpu.memref_slice %arg9[%add3A_85, %dma_start3A_148] : memref<32x80xi32, #tpu.memory_space<vmem>> -> memref<1x80xi32, #tpu.memory_space<vmem>>
          %dma_start3A_150 = tpu.memref_squeeze %dma_start3A_149 : memref<1x80xi32, #tpu.memory_space<vmem>> -> memref<80xi32, #tpu.memory_space<vmem>>
          %dma_start3A_151 = arith.constant 0 : i32
          %dma_start3A_152 = arith.constant 0 : i32
          %dma_start3A_153 = tpu.memref_slice %arg14[%dma_start3A_151, %dma_start3A_152] : memref<10000x128xf32, #tpu.memory_space<vmem_shared>> -> memref<10000x128xf32, #tpu.memory_space<vmem_shared>>
          tpu.enqueue_indirect_dma source(%arg10 : memref<80x128xf32, #tpu.memory_space<vmem>>) target(%dma_start3A_153 : memref<10000x128xf32, #tpu.memory_space<vmem_shared>>) offsets(%dma_start3A_150 : memref<80xi32, #tpu.memory_space<vmem>>) semaphore(%run_scoped3A : memref<!tpu.dma_semaphore, #tpu.memory_space<semaphore_mem>>) {add = true}
          %dma_wait3A_154 = arith.constant 0 : i32
          %dma_wait3A_155 = tpu.memref_slice %arg9[%add3A_85, %dma_wait3A_154] : memref<32x80xi32, #tpu.memory_space<vmem>> -> memref<1x80xi32, #tpu.memory_space<vmem>>
          %dma_wait3A_156 = tpu.memref_squeeze %dma_wait3A_155 : memref<1x80xi32, #tpu.memory_space<vmem>> -> memref<80xi32, #tpu.memory_space<vmem>>
          %dma_wait3A_157 = arith.constant 0 : i32
          %dma_wait3A_158 = arith.constant 0 : i32
          %dma_wait3A_159 = tpu.memref_slice %arg14[%dma_wait3A_157, %dma_wait3A_158] : memref<10000x128xf32, #tpu.memory_space<vmem_shared>> -> memref<10000x128xf32, #tpu.memory_space<vmem_shared>>
          tpu.wait_indirect_dma semaphore(%run_scoped3A : memref<!tpu.dma_semaphore, #tpu.memory_space<semaphore_mem>>) src(%arg10 : memref<80x128xf32, #tpu.memory_space<vmem>>) dst(%dma_wait3A_159 : memref<10000x128xf32, #tpu.memory_space<vmem_shared>>)
          tpu.yield
        }) : () -> ()
        %mul3A_121 = arith.constant 2 : i32
        %mul3A_122 = arith.muli %mul3A_121, %scan3A_81 : i32
        %add3A_123 = arith.constant 1 : i32
        %add3A_124 = arith.addi %mul3A_122, %add3A_123 : i32
        %lt3A = arith.constant 15 : i32
        %lt3A_125 = arith.cmpi slt, %scan3A_81, %lt3A : i32
        %convert_element_type3A_126 = arith.extui %lt3A_125 : i1 to i32
        %cond3A_127 = arith.constant 0 : i32
        %cond3A_128 = arith.cmpi ne, %convert_element_type3A_126, %cond3A_127 : i32
        scf.if %cond3A_128 {
          %add3A_148 = arith.constant 1 : i32
          %add3A_149 = arith.addi %add3A_124, %add3A_148 : i32
          %dma_start3A_150 = arith.constant 0 : i32
          %dma_start3A_151 = tpu.memref_slice %arg8[%add3A_149, %dma_start3A_150] : memref<32x80xi32, #tpu.memory_space<vmem>> -> memref<1x80xi32, #tpu.memory_space<vmem>>
          %dma_start3A_152 = tpu.memref_squeeze %dma_start3A_151 : memref<1x80xi32, #tpu.memory_space<vmem>> -> memref<80xi32, #tpu.memory_space<vmem>>
          %dma_start3A_153 = arith.constant 0 : i32
          %dma_start3A_154 = arith.constant 0 : i32
          %dma_start3A_155 = tpu.memref_slice %arg2[%dma_start3A_153, %dma_start3A_154] : memref<10000x128xf32, #tpu.memory_space<hbm>> -> memref<10000x128xf32, #tpu.memory_space<hbm>>
          tpu.enqueue_indirect_dma source(%dma_start3A_155 : memref<10000x128xf32, #tpu.memory_space<hbm>>) target(%arg10 : memref<80x128xf32, #tpu.memory_space<vmem>>) offsets(%dma_start3A_152 : memref<80xi32, #tpu.memory_space<vmem>>) semaphore(%arg15 : memref<!tpu.dma_semaphore, #tpu.memory_space<semaphore_mem>>)
          %add3A_156 = arith.constant 1 : i32
          %add3A_157 = arith.addi %add3A_124, %add3A_156 : i32
          %mul3A_158 = arith.constant 80 : i32
          %mul3A_159 = arith.muli %add3A_157, %mul3A_158 : i32
          %add3A_160 = arith.addi %add3A_62, %mul3A_159 : i32
          %dma_start3A_161 = arith.constant 0 : i32
          %dma_start3A_162 = tpu.memref_slice %arg5[%add3A_160, %dma_start3A_161] : memref<320000x128xf32, #tpu.memory_space<hbm>> -> memref<80x128xf32, #tpu.memory_space<hbm>>
          %dma_start3A_163 = arith.constant 0 : i32
          %dma_start3A_164 = tpu.memref_slice %arg5[%add3A_160, %dma_start3A_163] : memref<320000x128xf32, #tpu.memory_space<hbm>> -> memref<80x128xf32, #tpu.memory_space<hbm>>
          tpu.enqueue_dma source(%dma_start3A_164 : memref<80x128xf32, #tpu.memory_space<hbm>>) target(%arg12 : memref<80x128xf32, #tpu.memory_space<vmem>>) target_semaphore(%arg17 : memref<!tpu.dma_semaphore, #tpu.memory_space<semaphore_mem>>)
        } else {
        }
        %dma_wait3A_129 = arith.constant 0 : i32
        %dma_wait3A_130 = tpu.memref_slice %arg8[%add3A_124, %dma_wait3A_129] : memref<32x80xi32, #tpu.memory_space<vmem>> -> memref<1x80xi32, #tpu.memory_space<vmem>>
        %dma_wait3A_131 = tpu.memref_squeeze %dma_wait3A_130 : memref<1x80xi32, #tpu.memory_space<vmem>> -> memref<80xi32, #tpu.memory_space<vmem>>
        %dma_wait3A_132 = arith.constant 0 : i32
        %dma_wait3A_133 = arith.constant 0 : i32
        %dma_wait3A_134 = tpu.memref_slice %arg2[%dma_wait3A_132, %dma_wait3A_133] : memref<10000x128xf32, #tpu.memory_space<hbm>> -> memref<10000x128xf32, #tpu.memory_space<hbm>>
        tpu.wait_indirect_dma semaphore(%arg16 : memref<!tpu.dma_semaphore, #tpu.memory_space<semaphore_mem>>) src(%dma_wait3A_134 : memref<10000x128xf32, #tpu.memory_space<hbm>>) dst(%arg11 : memref<80x128xf32, #tpu.memory_space<vmem>>)
        %mul3A_135 = arith.constant 80 : i32
        %mul3A_136 = arith.muli %add3A_124, %mul3A_135 : i32
        %add3A_137 = arith.addi %add3A_62, %mul3A_136 : i32
        %dma_wait3A_138 = arith.constant 0 : i32
        %dma_wait3A_139 = tpu.memref_slice %arg5[%add3A_137, %dma_wait3A_138] : memref<320000x128xf32, #tpu.memory_space<hbm>> -> memref<80x128xf32, #tpu.memory_space<hbm>>
        %dma_wait3A_140 = arith.constant 0 : i32
        %dma_wait3A_141 = tpu.memref_slice %arg5[%add3A_137, %dma_wait3A_140] : memref<320000x128xf32, #tpu.memory_space<hbm>> -> memref<80x128xf32, #tpu.memory_space<hbm>>
        tpu.wait_dma2 semaphore(%arg18 : memref<!tpu.dma_semaphore, #tpu.memory_space<semaphore_mem>>) src(%dma_wait3A_141 : memref<80x128xf32, #tpu.memory_space<hbm>>) dst(%arg13 : memref<80x128xf32, #tpu.memory_space<vmem>>)
        %scan3A_142 = arith.constant 0 : i32
        %scan3A_143 = arith.constant 0 : i32
        %scan3A_144 = arith.constant 80 : i32
        %scan3A_145 = arith.addi %scan3A_143, %scan3A_144 : i32
        %scan3A_146 = arith.constant 1 : i32
        scf.for %scan3A_148 = %scan3A_143 to %scan3A_145 step %scan3A_146  : i32 {
          %get3A = arith.index_cast %scan3A_148 : i32 to index
          %get3A_149 = arith.constant 0 : index
          %get3A_150 = tpu.vector_load %arg11[%get3A, %get3A_149] {strides = array<i32>} : memref<80x128xf32, #tpu.memory_space<vmem>>, vector<1x16xf32>,
          %get3A_151 = vector.shape_cast %get3A_150 : vector<1x16xf32> to vector<16xf32>
          %get3A_152 = arith.index_cast %scan3A_148 : i32 to index
          %get3A_153 = arith.constant 0 : index
          %get3A_154 = tpu.vector_load %arg13[%get3A_152, %get3A_153] {strides = array<i32>} : memref<80x128xf32, #tpu.memory_space<vmem>>, vector<1x16xf32>,
          %get3A_155 = vector.shape_cast %get3A_154 : vector<1x16xf32> to vector<16xf32>
          %add3A_156 = arith.addf %get3A_151, %get3A_155 : vector<16xf32>
          %max3A = arith.constant 0.000000e+00 : f32
          %max3A_157 = vector.broadcast %max3A : f32 to vector<16xf32>
          %max3A_158 = arith.maximumf %add3A_156, %max3A_157 : vector<16xf32>
          %swap3A = arith.index_cast %scan3A_148 : i32 to index
          %swap3A_159 = arith.constant 0 : index
          %swap3A_160 = tpu.vector_load %arg11[%swap3A, %swap3A_159] {strides = array<i32>} : memref<80x128xf32, #tpu.memory_space<vmem>>, vector<1x16xf32>,
          %swap3A_161 = vector.shape_cast %swap3A_160 : vector<1x16xf32> to vector<16xf32>
          %swap3A_162 = vector.shape_cast %max3A_158 : vector<16xf32> to vector<1x16xf32>
          tpu.vector_store %arg11[%swap3A, %swap3A_159], %swap3A_162 {strides = array<i32>} : memref<80x128xf32, #tpu.memory_space<vmem>>, vector<1x16xf32>,
          %get3A_163 = arith.index_cast %scan3A_148 : i32 to index
          %get3A_164 = arith.constant 16 : index
          %get3A_165 = tpu.vector_load %arg11[%get3A_163, %get3A_164] {strides = array<i32>} : memref<80x128xf32, #tpu.memory_space<vmem>>, vector<1x16xf32>,
          %get3A_166 = vector.shape_cast %get3A_165 : vector<1x16xf32> to vector<16xf32>
          %get3A_167 = arith.index_cast %scan3A_148 : i32 to index
          %get3A_168 = arith.constant 16 : index
          %get3A_169 = tpu.vector_load %arg13[%get3A_167, %get3A_168] {strides = array<i32>} : memref<80x128xf32, #tpu.memory_space<vmem>>, vector<1x16xf32>,
          %get3A_170 = vector.shape_cast %get3A_169 : vector<1x16xf32> to vector<16xf32>
          %add3A_171 = arith.addf %get3A_166, %get3A_170 : vector<16xf32>
          %max3A_172 = arith.constant 0.000000e+00 : f32
          %max3A_173 = vector.broadcast %max3A_172 : f32 to vector<16xf32>
          %max3A_174 = arith.maximumf %add3A_171, %max3A_173 : vector<16xf32>
          %swap3A_175 = arith.index_cast %scan3A_148 : i32 to index
          %swap3A_176 = arith.constant 16 : index
          %swap3A_177 = tpu.vector_load %arg11[%swap3A_175, %swap3A_176] {strides = array<i32>} : memref<80x128xf32, #tpu.memory_space<vmem>>, vector<1x16xf32>,
          %swap3A_178 = vector.shape_cast %swap3A_177 : vector<1x16xf32> to vector<16xf32>
          %swap3A_179 = vector.shape_cast %max3A_174 : vector<16xf32> to vector<1x16xf32>
          tpu.vector_store %arg11[%swap3A_175, %swap3A_176], %swap3A_179 {strides = array<i32>} : memref<80x128xf32, #tpu.memory_space<vmem>>, vector<1x16xf32>,
          %get3A_180 = arith.index_cast %scan3A_148 : i32 to index
          %get3A_181 = arith.constant 32 : index
          %get3A_182 = tpu.vector_load %arg11[%get3A_180, %get3A_181] {strides = array<i32>} : memref<80x128xf32, #tpu.memory_space<vmem>>, vector<1x16xf32>,
          %get3A_183 = vector.shape_cast %get3A_182 : vector<1x16xf32> to vector<16xf32>
          %get3A_184 = arith.index_cast %scan3A_148 : i32 to index
          %get3A_185 = arith.constant 32 : index
          %get3A_186 = tpu.vector_load %arg13[%get3A_184, %get3A_185] {strides = array<i32>} : memref<80x128xf32, #tpu.memory_space<vmem>>, vector<1x16xf32>,
          %get3A_187 = vector.shape_cast %get3A_186 : vector<1x16xf32> to vector<16xf32>
          %add3A_188 = arith.addf %get3A_183, %get3A_187 : vector<16xf32>
          %max3A_189 = arith.constant 0.000000e+00 : f32
          %max3A_190 = vector.broadcast %max3A_189 : f32 to vector<16xf32>
          %max3A_191 = arith.maximumf %add3A_188, %max3A_190 : vector<16xf32>
          %swap3A_192 = arith.index_cast %scan3A_148 : i32 to index
          %swap3A_193 = arith.constant 32 : index
          %swap3A_194 = tpu.vector_load %arg11[%swap3A_192, %swap3A_193] {strides = array<i32>} : memref<80x128xf32, #tpu.memory_space<vmem>>, vector<1x16xf32>,
          %swap3A_195 = vector.shape_cast %swap3A_194 : vector<1x16xf32> to vector<16xf32>
          %swap3A_196 = vector.shape_cast %max3A_191 : vector<16xf32> to vector<1x16xf32>
          tpu.vector_store %arg11[%swap3A_192, %swap3A_193], %swap3A_196 {strides = array<i32>} : memref<80x128xf32, #tpu.memory_space<vmem>>, vector<1x16xf32>,
          %get3A_197 = arith.index_cast %scan3A_148 : i32 to index
          %get3A_198 = arith.constant 48 : index
          %get3A_199 = tpu.vector_load %arg11[%get3A_197, %get3A_198] {strides = array<i32>} : memref<80x128xf32, #tpu.memory_space<vmem>>, vector<1x16xf32>,
          %get3A_200 = vector.shape_cast %get3A_199 : vector<1x16xf32> to vector<16xf32>
          %get3A_201 = arith.index_cast %scan3A_148 : i32 to index
          %get3A_202 = arith.constant 48 : index
          %get3A_203 = tpu.vector_load %arg13[%get3A_201, %get3A_202] {strides = array<i32>} : memref<80x128xf32, #tpu.memory_space<vmem>>, vector<1x16xf32>,
          %get3A_204 = vector.shape_cast %get3A_203 : vector<1x16xf32> to vector<16xf32>
          %add3A_205 = arith.addf %get3A_200, %get3A_204 : vector<16xf32>
          %max3A_206 = arith.constant 0.000000e+00 : f32
          %max3A_207 = vector.broadcast %max3A_206 : f32 to vector<16xf32>
          %max3A_208 = arith.maximumf %add3A_205, %max3A_207 : vector<16xf32>
          %swap3A_209 = arith.index_cast %scan3A_148 : i32 to index
          %swap3A_210 = arith.constant 48 : index
          %swap3A_211 = tpu.vector_load %arg11[%swap3A_209, %swap3A_210] {strides = array<i32>} : memref<80x128xf32, #tpu.memory_space<vmem>>, vector<1x16xf32>,
          %swap3A_212 = vector.shape_cast %swap3A_211 : vector<1x16xf32> to vector<16xf32>
          %swap3A_213 = vector.shape_cast %max3A_208 : vector<16xf32> to vector<1x16xf32>
          tpu.vector_store %arg11[%swap3A_209, %swap3A_210], %swap3A_213 {strides = array<i32>} : memref<80x128xf32, #tpu.memory_space<vmem>>, vector<1x16xf32>,
          %get3A_214 = arith.index_cast %scan3A_148 : i32 to index
          %get3A_215 = arith.constant 64 : index
          %get3A_216 = tpu.vector_load %arg11[%get3A_214, %get3A_215] {strides = array<i32>} : memref<80x128xf32, #tpu.memory_space<vmem>>, vector<1x16xf32>,
          %get3A_217 = vector.shape_cast %get3A_216 : vector<1x16xf32> to vector<16xf32>
          %get3A_218 = arith.index_cast %scan3A_148 : i32 to index
          %get3A_219 = arith.constant 64 : index
          %get3A_220 = tpu.vector_load %arg13[%get3A_218, %get3A_219] {strides = array<i32>} : memref<80x128xf32, #tpu.memory_space<vmem>>, vector<1x16xf32>,
          %get3A_221 = vector.shape_cast %get3A_220 : vector<1x16xf32> to vector<16xf32>
          %add3A_222 = arith.addf %get3A_217, %get3A_221 : vector<16xf32>
          %max3A_223 = arith.constant 0.000000e+00 : f32
          %max3A_224 = vector.broadcast %max3A_223 : f32 to vector<16xf32>
          %max3A_225 = arith.maximumf %add3A_222, %max3A_224 : vector<16xf32>
          %swap3A_226 = arith.index_cast %scan3A_148 : i32 to index
          %swap3A_227 = arith.constant 64 : index
          %swap3A_228 = tpu.vector_load %arg11[%swap3A_226, %swap3A_227] {strides = array<i32>} : memref<80x128xf32, #tpu.memory_space<vmem>>, vector<1x16xf32>,
          %swap3A_229 = vector.shape_cast %swap3A_228 : vector<1x16xf32> to vector<16xf32>
          %swap3A_230 = vector.shape_cast %max3A_225 : vector<16xf32> to vector<1x16xf32>
          tpu.vector_store %arg11[%swap3A_226, %swap3A_227], %swap3A_230 {strides = array<i32>} : memref<80x128xf32, #tpu.memory_space<vmem>>, vector<1x16xf32>,
          %get3A_231 = arith.index_cast %scan3A_148 : i32 to index
          %get3A_232 = arith.constant 80 : index
          %get3A_233 = tpu.vector_load %arg11[%get3A_231, %get3A_232] {strides = array<i32>} : memref<80x128xf32, #tpu.memory_space<vmem>>, vector<1x16xf32>,
          %get3A_234 = vector.shape_cast %get3A_233 : vector<1x16xf32> to vector<16xf32>
          %get3A_235 = arith.index_cast %scan3A_148 : i32 to index
          %get3A_236 = arith.constant 80 : index
          %get3A_237 = tpu.vector_load %arg13[%get3A_235, %get3A_236] {strides = array<i32>} : memref<80x128xf32, #tpu.memory_space<vmem>>, vector<1x16xf32>,
          %get3A_238 = vector.shape_cast %get3A_237 : vector<1x16xf32> to vector<16xf32>
          %add3A_239 = arith.addf %get3A_234, %get3A_238 : vector<16xf32>
          %max3A_240 = arith.constant 0.000000e+00 : f32
          %max3A_241 = vector.broadcast %max3A_240 : f32 to vector<16xf32>
          %max3A_242 = arith.maximumf %add3A_239, %max3A_241 : vector<16xf32>
          %swap3A_243 = arith.index_cast %scan3A_148 : i32 to index
          %swap3A_244 = arith.constant 80 : index
          %swap3A_245 = tpu.vector_load %arg11[%swap3A_243, %swap3A_244] {strides = array<i32>} : memref<80x128xf32, #tpu.memory_space<vmem>>, vector<1x16xf32>,
          %swap3A_246 = vector.shape_cast %swap3A_245 : vector<1x16xf32> to vector<16xf32>
          %swap3A_247 = vector.shape_cast %max3A_242 : vector<16xf32> to vector<1x16xf32>
          tpu.vector_store %arg11[%swap3A_243, %swap3A_244], %swap3A_247 {strides = array<i32>} : memref<80x128xf32, #tpu.memory_space<vmem>>, vector<1x16xf32>,
          %get3A_248 = arith.index_cast %scan3A_148 : i32 to index
          %get3A_249 = arith.constant 96 : index
          %get3A_250 = tpu.vector_load %arg11[%get3A_248, %get3A_249] {strides = array<i32>} : memref<80x128xf32, #tpu.memory_space<vmem>>, vector<1x16xf32>,
          %get3A_251 = vector.shape_cast %get3A_250 : vector<1x16xf32> to vector<16xf32>
          %get3A_252 = arith.index_cast %scan3A_148 : i32 to index
          %get3A_253 = arith.constant 96 : index
          %get3A_254 = tpu.vector_load %arg13[%get3A_252, %get3A_253] {strides = array<i32>} : memref<80x128xf32, #tpu.memory_space<vmem>>, vector<1x16xf32>,
          %get3A_255 = vector.shape_cast %get3A_254 : vector<1x16xf32> to vector<16xf32>
          %add3A_256 = arith.addf %get3A_251, %get3A_255 : vector<16xf32>
          %max3A_257 = arith.constant 0.000000e+00 : f32
          %max3A_258 = vector.broadcast %max3A_257 : f32 to vector<16xf32>
          %max3A_259 = arith.maximumf %add3A_256, %max3A_258 : vector<16xf32>
          %swap3A_260 = arith.index_cast %scan3A_148 : i32 to index
          %swap3A_261 = arith.constant 96 : index
          %swap3A_262 = tpu.vector_load %arg11[%swap3A_260, %swap3A_261] {strides = array<i32>} : memref<80x128xf32, #tpu.memory_space<vmem>>, vector<1x16xf32>,
          %swap3A_263 = vector.shape_cast %swap3A_262 : vector<1x16xf32> to vector<16xf32>
          %swap3A_264 = vector.shape_cast %max3A_259 : vector<16xf32> to vector<1x16xf32>
          tpu.vector_store %arg11[%swap3A_260, %swap3A_261], %swap3A_264 {strides = array<i32>} : memref<80x128xf32, #tpu.memory_space<vmem>>, vector<1x16xf32>,
          %get3A_265 = arith.index_cast %scan3A_148 : i32 to index
          %get3A_266 = arith.constant 112 : index
          %get3A_267 = tpu.vector_load %arg11[%get3A_265, %get3A_266] {strides = array<i32>} : memref<80x128xf32, #tpu.memory_space<vmem>>, vector<1x16xf32>,
          %get3A_268 = vector.shape_cast %get3A_267 : vector<1x16xf32> to vector<16xf32>
          %get3A_269 = arith.index_cast %scan3A_148 : i32 to index
          %get3A_270 = arith.constant 112 : index
          %get3A_271 = tpu.vector_load %arg13[%get3A_269, %get3A_270] {strides = array<i32>} : memref<80x128xf32, #tpu.memory_space<vmem>>, vector<1x16xf32>,
          %get3A_272 = vector.shape_cast %get3A_271 : vector<1x16xf32> to vector<16xf32>
          %add3A_273 = arith.addf %get3A_268, %get3A_272 : vector<16xf32>
          %max3A_274 = arith.constant 0.000000e+00 : f32
          %max3A_275 = vector.broadcast %max3A_274 : f32 to vector<16xf32>
          %max3A_276 = arith.maximumf %add3A_273, %max3A_275 : vector<16xf32>
          %swap3A_277 = arith.index_cast %scan3A_148 : i32 to index
          %swap3A_278 = arith.constant 112 : index
          %swap3A_279 = tpu.vector_load %arg11[%swap3A_277, %swap3A_278] {strides = array<i32>} : memref<80x128xf32, #tpu.memory_space<vmem>>, vector<1x16xf32>,
          %swap3A_280 = vector.shape_cast %swap3A_279 : vector<1x16xf32> to vector<16xf32>
          %swap3A_281 = vector.shape_cast %max3A_276 : vector<16xf32> to vector<1x16xf32>
          tpu.vector_store %arg11[%swap3A_277, %swap3A_278], %swap3A_281 {strides = array<i32>} : memref<80x128xf32, #tpu.memory_space<vmem>>, vector<1x16xf32>,
        }
        %scan3A_147 = arith.constant 80 : i32
        "tpu.region"() ({
          %run_scoped3A = tpu.sem_alloc : memref<!tpu.dma_semaphore, #tpu.memory_space<semaphore_mem>>
          %dma_start3A_148 = arith.constant 0 : i32
          %dma_start3A_149 = tpu.memref_slice %arg9[%add3A_124, %dma_start3A_148] : memref<32x80xi32, #tpu.memory_space<vmem>> -> memref<1x80xi32, #tpu.memory_space<vmem>>
          %dma_start3A_150 = tpu.memref_squeeze %dma_start3A_149 : memref<1x80xi32, #tpu.memory_space<vmem>> -> memref<80xi32, #tpu.memory_space<vmem>>
          %dma_start3A_151 = arith.constant 0 : i32
          %dma_start3A_152 = arith.constant 0 : i32
          %dma_start3A_153 = tpu.memref_slice %arg14[%dma_start3A_151, %dma_start3A_152] : memref<10000x128xf32, #tpu.memory_space<vmem_shared>> -> memref<10000x128xf32, #tpu.memory_space<vmem_shared>>
          tpu.enqueue_indirect_dma source(%arg11 : memref<80x128xf32, #tpu.memory_space<vmem>>) target(%dma_start3A_153 : memref<10000x128xf32, #tpu.memory_space<vmem_shared>>) offsets(%dma_start3A_150 : memref<80xi32, #tpu.memory_space<vmem>>) semaphore(%run_scoped3A : memref<!tpu.dma_semaphore, #tpu.memory_space<semaphore_mem>>) {add = true}
          %dma_wait3A_154 = arith.constant 0 : i32
          %dma_wait3A_155 = tpu.memref_slice %arg9[%add3A_124, %dma_wait3A_154] : memref<32x80xi32, #tpu.memory_space<vmem>> -> memref<1x80xi32, #tpu.memory_space<vmem>>
          %dma_wait3A_156 = tpu.memref_squeeze %dma_wait3A_155 : memref<1x80xi32, #tpu.memory_space<vmem>> -> memref<80xi32, #tpu.memory_space<vmem>>
          %dma_wait3A_157 = arith.constant 0 : i32
          %dma_wait3A_158 = arith.constant 0 : i32
          %dma_wait3A_159 = tpu.memref_slice %arg14[%dma_wait3A_157, %dma_wait3A_158] : memref<10000x128xf32, #tpu.memory_space<vmem_shared>> -> memref<10000x128xf32, #tpu.memory_space<vmem_shared>>
          tpu.wait_indirect_dma semaphore(%run_scoped3A : memref<!tpu.dma_semaphore, #tpu.memory_space<semaphore_mem>>) src(%arg11 : memref<80x128xf32, #tpu.memory_space<vmem>>) dst(%dma_wait3A_159 : memref<10000x128xf32, #tpu.memory_space<vmem_shared>>)
          tpu.yield
        }) : () -> ()
      }
      %scan3A_80 = arith.constant 16 : i32
    }
    %barrier3A_41 = arith.constant 0 : index
    tpu.barrier barrier_id(%barrier3A_41)
    %eq3A_42 = arith.constant 0 : i32
    %eq3A_43 = arith.cmpi eq, %arg0, %eq3A_42 : i32
    %convert_element_type3A_44 = arith.extui %eq3A_43 : i1 to i32
    %cond3A_45 = arith.constant 0 : i32
    %cond3A_46 = arith.cmpi ne, %convert_element_type3A_44, %cond3A_45 : i32
    scf.if %cond3A_46 {
      "tpu.region"() ({
        %run_scoped3A = tpu.sem_alloc : memref<!tpu.dma_semaphore, #tpu.memory_space<semaphore_mem>>
        %dma_start3A = arith.constant 0 : i32
        %dma_start3A_57 = tpu.memref_slice %arg6[%mul3A_8, %dma_start3A] : memref<10000x128xf32, #tpu.memory_space<hbm>> -> memref<624x128xf32, #tpu.memory_space<hbm>>
        %dma_start3A_58 = arith.constant 0 : i32
        %dma_start3A_59 = tpu.memref_slice %arg14[%mul3A_8, %dma_start3A_58] : memref<10000x128xf32, #tpu.memory_space<vmem_shared>> -> memref<624x128xf32, #tpu.memory_space<vmem_shared>>
        tpu.enqueue_dma source(%dma_start3A_59 : memref<624x128xf32, #tpu.memory_space<vmem_shared>>) target(%dma_start3A_57 : memref<624x128xf32, #tpu.memory_space<hbm>>) target_semaphore(%run_scoped3A : memref<!tpu.dma_semaphore, #tpu.memory_space<semaphore_mem>>)
        %dma_wait3A = arith.constant 0 : i32
        %dma_wait3A_60 = tpu.memref_slice %arg6[%mul3A_8, %dma_wait3A] : memref<10000x128xf32, #tpu.memory_space<hbm>> -> memref<624x128xf32, #tpu.memory_space<hbm>>
        %dma_wait3A_61 = arith.constant 0 : i32
        %dma_wait3A_62 = tpu.memref_slice %arg14[%mul3A_8, %dma_wait3A_61] : memref<10000x128xf32, #tpu.memory_space<vmem_shared>> -> memref<624x128xf32, #tpu.memory_space<vmem_shared>>
        tpu.wait_dma2 semaphore(%run_scoped3A : memref<!tpu.dma_semaphore, #tpu.memory_space<semaphore_mem>>) src(%dma_wait3A_62 : memref<624x128xf32, #tpu.memory_space<vmem_shared>>) dst(%dma_wait3A_60 : memref<624x128xf32, #tpu.memory_space<hbm>>)
        tpu.yield
      }) : () -> ()
      %eq3A_52 = arith.constant 15 : i32
      %eq3A_53 = arith.cmpi eq, %arg1, %eq3A_52 : i32
      %convert_element_type3A_54 = arith.extui %eq3A_53 : i1 to i32
      %cond3A_55 = arith.constant 0 : i32
      %cond3A_56 = arith.cmpi ne, %convert_element_type3A_54, %cond3A_55 : i32
      scf.if %cond3A_56 {
        "tpu.region"() ({
          %run_scoped3A = tpu.sem_alloc : memref<!tpu.dma_semaphore, #tpu.memory_space<semaphore_mem>>
          %dma_start3A = arith.constant 9984 : i32
          %dma_start3A_57 = arith.constant 0 : i32
          %dma_start3A_58 = tpu.memref_slice %arg6[%dma_start3A, %dma_start3A_57] : memref<10000x128xf32, #tpu.memory_space<hbm>> -> memref<16x128xf32, #tpu.memory_space<hbm>>
          %dma_start3A_59 = arith.constant 9984 : i32
          %dma_start3A_60 = arith.constant 0 : i32
          %dma_start3A_61 = tpu.memref_slice %arg14[%dma_start3A_59, %dma_start3A_60] : memref<10000x128xf32, #tpu.memory_space<vmem_shared>> -> memref<16x128xf32, #tpu.memory_space<vmem_shared>>
          tpu.enqueue_dma source(%dma_start3A_61 : memref<16x128xf32, #tpu.memory_space<vmem_shared>>) target(%dma_start3A_58 : memref<16x128xf32, #tpu.memory_space<hbm>>) target_semaphore(%run_scoped3A : memref<!tpu.dma_semaphore, #tpu.memory_space<semaphore_mem>>)
          %dma_wait3A = arith.constant 9984 : i32
          %dma_wait3A_62 = arith.constant 0 : i32
          %dma_wait3A_63 = tpu.memref_slice %arg6[%dma_wait3A, %dma_wait3A_62] : memref<10000x128xf32, #tpu.memory_space<hbm>> -> memref<16x128xf32, #tpu.memory_space<hbm>>
          %dma_wait3A_64 = arith.constant 9984 : i32
          %dma_wait3A_65 = arith.constant 0 : i32
          %dma_wait3A_66 = tpu.memref_slice %arg14[%dma_wait3A_64, %dma_wait3A_65] : memref<10000x128xf32, #tpu.memory_space<vmem_shared>> -> memref<16x128xf32, #tpu.memory_space<vmem_shared>>
          tpu.wait_dma2 semaphore(%run_scoped3A : memref<!tpu.dma_semaphore, #tpu.memory_space<semaphore_mem>>) src(%dma_wait3A_66 : memref<16x128xf32, #tpu.memory_space<vmem_shared>>) dst(%dma_wait3A_63 : memref<16x128xf32, #tpu.memory_space<hbm>>)
          tpu.yield
        }) : () -> ()
      } else {
      }
    } else {
    }
    %eq3A_47 = arith.constant 1 : i32
    %eq3A_48 = arith.cmpi eq, %arg0, %eq3A_47 : i32
    %convert_element_type3A_49 = arith.extui %eq3A_48 : i1 to i32
    %cond3A_50 = arith.constant 0 : i32
    %cond3A_51 = arith.cmpi ne, %convert_element_type3A_49, %cond3A_50 : i32
    scf.if %cond3A_51 {
      "tpu.region"() ({
        %run_scoped3A = tpu.sem_alloc : memref<!tpu.dma_semaphore, #tpu.memory_space<semaphore_mem>>
        %dma_start3A = arith.constant 0 : i32
        %dma_start3A_57 = tpu.memref_slice %arg7[%mul3A_8, %dma_start3A] : memref<10000x128xf32, #tpu.memory_space<hbm>> -> memref<624x128xf32, #tpu.memory_space<hbm>>
        %dma_start3A_58 = arith.constant 0 : i32
        %dma_start3A_59 = tpu.memref_slice %arg14[%mul3A_8, %dma_start3A_58] : memref<10000x128xf32, #tpu.memory_space<vmem_shared>> -> memref<624x128xf32, #tpu.memory_space<vmem_shared>>
        tpu.enqueue_dma source(%dma_start3A_59 : memref<624x128xf32, #tpu.memory_space<vmem_shared>>) target(%dma_start3A_57 : memref<624x128xf32, #tpu.memory_space<hbm>>) target_semaphore(%run_scoped3A : memref<!tpu.dma_semaphore, #tpu.memory_space<semaphore_mem>>)
        %dma_wait3A = arith.constant 0 : i32
        %dma_wait3A_60 = tpu.memref_slice %arg7[%mul3A_8, %dma_wait3A] : memref<10000x128xf32, #tpu.memory_space<hbm>> -> memref<624x128xf32, #tpu.memory_space<hbm>>
        %dma_wait3A_61 = arith.constant 0 : i32
        %dma_wait3A_62 = tpu.memref_slice %arg14[%mul3A_8, %dma_wait3A_61] : memref<10000x128xf32, #tpu.memory_space<vmem_shared>> -> memref<624x128xf32, #tpu.memory_space<vmem_shared>>
        tpu.wait_dma2 semaphore(%run_scoped3A : memref<!tpu.dma_semaphore, #tpu.memory_space<semaphore_mem>>) src(%dma_wait3A_62 : memref<624x128xf32, #tpu.memory_space<vmem_shared>>) dst(%dma_wait3A_60 : memref<624x128xf32, #tpu.memory_space<hbm>>)
        tpu.yield
      }) : () -> ()
      %eq3A_52 = arith.constant 15 : i32
      %eq3A_53 = arith.cmpi eq, %arg1, %eq3A_52 : i32
      %convert_element_type3A_54 = arith.extui %eq3A_53 : i1 to i32
      %cond3A_55 = arith.constant 0 : i32
      %cond3A_56 = arith.cmpi ne, %convert_element_type3A_54, %cond3A_55 : i32
      scf.if %cond3A_56 {
        "tpu.region"() ({
          %run_scoped3A = tpu.sem_alloc : memref<!tpu.dma_semaphore, #tpu.memory_space<semaphore_mem>>
          %dma_start3A = arith.constant 9984 : i32
          %dma_start3A_57 = arith.constant 0 : i32
          %dma_start3A_58 = tpu.memref_slice %arg7[%dma_start3A, %dma_start3A_57] : memref<10000x128xf32, #tpu.memory_space<hbm>> -> memref<16x128xf32, #tpu.memory_space<hbm>>
          %dma_start3A_59 = arith.constant 9984 : i32
          %dma_start3A_60 = arith.constant 0 : i32
          %dma_start3A_61 = tpu.memref_slice %arg14[%dma_start3A_59, %dma_start3A_60] : memref<10000x128xf32, #tpu.memory_space<vmem_shared>> -> memref<16x128xf32, #tpu.memory_space<vmem_shared>>
          tpu.enqueue_dma source(%dma_start3A_61 : memref<16x128xf32, #tpu.memory_space<vmem_shared>>) target(%dma_start3A_58 : memref<16x128xf32, #tpu.memory_space<hbm>>) target_semaphore(%run_scoped3A : memref<!tpu.dma_semaphore, #tpu.memory_space<semaphore_mem>>)
          %dma_wait3A = arith.constant 9984 : i32
          %dma_wait3A_62 = arith.constant 0 : i32
          %dma_wait3A_63 = tpu.memref_slice %arg7[%dma_wait3A, %dma_wait3A_62] : memref<10000x128xf32, #tpu.memory_space<hbm>> -> memref<16x128xf32, #tpu.memory_space<hbm>>
          %dma_wait3A_64 = arith.constant 9984 : i32
          %dma_wait3A_65 = arith.constant 0 : i32
          %dma_wait3A_66 = tpu.memref_slice %arg14[%dma_wait3A_64, %dma_wait3A_65] : memref<10000x128xf32, #tpu.memory_space<vmem_shared>> -> memref<16x128xf32, #tpu.memory_space<vmem_shared>>
          tpu.wait_dma2 semaphore(%run_scoped3A : memref<!tpu.dma_semaphore, #tpu.memory_space<semaphore_mem>>) src(%dma_wait3A_66 : memref<16x128xf32, #tpu.memory_space<vmem_shared>>) dst(%dma_wait3A_63 : memref<16x128xf32, #tpu.memory_space<hbm>>)
          tpu.yield
        }) : () -> ()
      } else {
      }
    } else {
    }
    return
  }
}

module attributes {stable_mosaic.version = 14 : i64} {
  func.func @body(%arg0: i32, %arg1: memref<1000x128xf32, #tpu.memory_space<vmem>>, %arg2: memref<1000x128xf32, #tpu.memory_space<vmem>>, %arg3: memref<1000x128xf32, #tpu.memory_space<vmem>>, %arg4: memref<128x128xf32, #tpu.memory_space<vmem>>, %arg5: memref<1x128xf32, #tpu.memory_space<vmem>>, %arg6: memref<1000x128xf32, #tpu.memory_space<vmem>>) attributes {dimension_semantics = [#tpu.dimension_semantics<arbitrary>], iteration_bounds = array<i64: 10>, scalar_prefetch = 0 : i64, scratch_operands = 0 : i64, tpu.core_type = #tpu.core_type<tc>, window_params = [{transform_indices = @transform_0, window_bounds = array<i64: 1000, 128>}, {transform_indices = @transform_1, window_bounds = array<i64: 1000, 128>}, {transform_indices = @transform_2, window_bounds = array<i64: 1000, 128>}, {pipeline_mode = #tpu.pipeline_mode<synchronous>, transform_indices = @transform_3, window_bounds = array<i64: 128, 128>}, {pipeline_mode = #tpu.pipeline_mode<synchronous>, transform_indices = @transform_4, window_bounds = array<i64: 1, 128>}, {transform_indices = @transform_5, window_bounds = array<i64: 1000, 128>}]} {
    %get3A = arith.constant 0 : index
    %get3A_0 = arith.constant 0 : index
    %get3A_1 = vector.load %arg1[%get3A, %get3A_0] : memref<1000x128xf32, #tpu.memory_space<vmem>>, vector<1000x128xf32>
    %mul3A = arith.constant 1.000010e+00 : f32
    %mul3A_2 = vector.broadcast %mul3A : f32 to vector<1000x128xf32>
    %mul3A_3 = arith.mulf %mul3A_2, %get3A_1 : vector<1000x128xf32>
    %get3A_4 = arith.constant 0 : index
    %get3A_5 = arith.constant 0 : index
    %get3A_6 = vector.load %arg2[%get3A_4, %get3A_5] : memref<1000x128xf32, #tpu.memory_space<vmem>>, vector<1000x128xf32>
    %add3A = arith.addf %mul3A_3, %get3A_6 : vector<1000x128xf32>
    %get3A_7 = arith.constant 0 : index
    %get3A_8 = arith.constant 0 : index
    %get3A_9 = vector.load %arg3[%get3A_7, %get3A_8] : memref<1000x128xf32, #tpu.memory_space<vmem>>, vector<1000x128xf32>
    %add3A_10 = arith.addf %add3A, %get3A_9 : vector<1000x128xf32>
    %get3A_11 = arith.constant 0 : index
    %get3A_12 = arith.constant 0 : index
    %get3A_13 = vector.load %arg4[%get3A_11, %get3A_12] : memref<128x128xf32, #tpu.memory_space<vmem>>, vector<128x128xf32>
    %dot_general3A = arith.constant dense<0.000000e+00> : vector<1000x128xf32>
    %dot_general3A_14 = tpu.matmul %add3A_10, %get3A_13, %dot_general3A {dimension_numbers = #tpu.dot_dimension_numbers<[1], [1], [0], [0], [0, 0, 1, 0], [], []>, transpose_lhs_hint = false} : vector<1000x128xf32>, vector<128x128xf32>, vector<1000x128xf32> -> vector<1000x128xf32>
    %get3A_15 = arith.constant 0 : index
    %get3A_16 = arith.constant 0 : index
    %get3A_17 = vector.load %arg5[%get3A_15, %get3A_16] : memref<1x128xf32, #tpu.memory_space<vmem>>, vector<1x128xf32>
    %add3A_18 = vector.broadcast %get3A_17 : vector<1x128xf32> to vector<1000x128xf32>
    %add3A_19 = arith.addf %dot_general3A_14, %add3A_18 : vector<1000x128xf32>
    %max3A = arith.constant 0.000000e+00 : f32
    %max3A_20 = vector.broadcast %max3A : f32 to vector<1000x128xf32>
    %max3A_21 = arith.maximumf %add3A_19, %max3A_20 : vector<1000x128xf32>
    %get3A_22 = arith.constant 0 : index
    %get3A_23 = arith.constant 0 : index
    %get3A_24 = vector.load %arg1[%get3A_22, %get3A_23] : memref<1000x128xf32, #tpu.memory_space<vmem>>, vector<1000x128xf32>
    %add3A_25 = arith.addf %max3A_21, %get3A_24 : vector<1000x128xf32>
    %swap3A = arith.constant 0 : index
    %swap3A_26 = arith.constant 0 : index
    %swap3A_27 = vector.load %arg6[%swap3A, %swap3A_26] : memref<1000x128xf32, #tpu.memory_space<vmem>>, vector<1000x128xf32>
    tpu.vector_store %arg6[%swap3A, %swap3A_26], %add3A_25 {strides = array<i32>} : memref<1000x128xf32, #tpu.memory_space<vmem>>, vector<1000x128xf32>,
    return
  }
  func.func @transform_0(%arg0: i32) -> (i32, i32) {
    %c0_i32 = arith.constant 0 : i32
    %c0_i32_0 = arith.constant 0 : i32
    return %arg0, %c0_i32 : i32, i32
  }
  func.func @transform_1(%arg0: i32) -> (i32, i32) {
    %c0_i32 = arith.constant 0 : i32
    %c0_i32_0 = arith.constant 0 : i32
    return %arg0, %c0_i32 : i32, i32
  }
  func.func @transform_2(%arg0: i32) -> (i32, i32) {
    %c0_i32 = arith.constant 0 : i32
    %c0_i32_0 = arith.constant 0 : i32
    return %arg0, %c0_i32 : i32, i32
  }
  func.func @transform_3(%arg0: i32) -> (i32, i32) {
    %c0_i32 = arith.constant 0 : i32
    %c0_i32_0 = arith.constant 0 : i32
    %c0_i32_1 = arith.constant 0 : i32
    return %c0_i32, %c0_i32_0 : i32, i32
  }
  func.func @transform_4(%arg0: i32) -> (i32, i32) {
    %c0_i32 = arith.constant 0 : i32
    %c0_i32_0 = arith.constant 0 : i32
    %c0_i32_1 = arith.constant 0 : i32
    return %c0_i32, %c0_i32_0 : i32, i32
  }
  func.func @transform_5(%arg0: i32) -> (i32, i32) {
    %c0_i32 = arith.constant 0 : i32
    %c0_i32_0 = arith.constant 0 : i32
    return %arg0, %c0_i32 : i32, i32
  }
}

</mosaic_0001>

<sc_bundles>
// kernel: kernel.4.cloned.1.call-start
scs
__scs_entry_jumppad:
0x0: {  	(pc) =	sbr.rel $0x88, $3  }
0x1: {  	(tag) =	ssettag $0x0;
	lr =	simm.s32 $0x1  }
0x2: {  	[smem:$0x3F9C] =	sst lr;
	_ =	strace $0xD0000000  }
0x3: {  	_ = 	snop  }
0x4: {  	_ = 	snop  }
0x5: {  	_ = 	snop  }
0x6: {  	_ = 	snop  }
0x7: {  	_ = 	snop  }
__scs_overlays_trampoline_lowered:
0x8: {  	[smem:$0x3FAB] =	sst s0  }
0x9: {  	[smem:$0x3FAC] =	sst s1  }
0xa: {  	[smem:$0x3FAD] =	sst s2  }
0xb: {  	[smem:$0x3FAE] =	sst s3  }
0xc: {  	[smem:$0x3FAF] =	sst s4  }
0xd: {  	[smem:$0x3FB0] =	sst s5  }
0xe: {  	[smem:$0x3FB1] =	sst s6  }
0xf: {  	[smem:$0x3FB2] =	sst s7  }
0x10: {  	[smem:$0x3FB3] =	sst s8  }
0x11: {  	[smem:$0x3FB4] =	sst s9;
	s0 =	simm.s32 @!p0 $0x0  }
0x12: {  	s1 =	sld [smem:$0x3F9A];
	s0 =	simm.s32 @p0 $0x1  }
0x13: {  	[smem:$0x3FB5] =	sst s0;
	s0 =	simm.s32 @!p1 $0x0  }
0x14: {  	s2 =	sld [smem:$0x3F99];
	s0 =	simm.s32 @p1 $0x1  }
0x15: {  	[smem:$0x3FB6] =	sst s0;
	s0 =	simm.s32 @!p2 $0x0  }
0x16: {  	s3 =	sld [smem:$0x3FDB];
	s0 =	simm.s32 @p2 $0x1  }
0x17: {  	s4 =	simm.s32 $0x1BF5;
	[smem:$0x3FB8] =	sst s0  }
0x18: {  	s0 =	sld [smem:$0x3F9B];
	_ =	swait.ge [sflag:s4], $0x0  }
0x19: {  	s7 =	sld [smem:$0x3F9C]  }
0x1a: {  	s8 =	sadd.s32 $0xFFFFE003, lr  }
0x1b: {  	s9 =	sadd.s32 $0xFFFFFEF7, lr;
	s5 =	simm.s32 $0xFFFFFFFF;
	p2 =	slt.u32 s8, $0xFFFFF086  }
0x1c: {  	p1 =	slt.u32 s9, $0xF7A;
	s5 =	simm.s32 @!p2 $0x0  }
0x1d: {  	s5 =	simm.s32 @p1 $0x1;
	p0 =	seq.s32 s7, s2  }
0x1e: {  	s7 =	smul.u32 @!p0 $0xF7A, s2;
	p2 =	seq.s32 @!p0 s5, $0x0  }
0x1f: {  	s9 =	smul.u32 $0xF7A, s1;
	s8 =	simm.s32 @!p0 $0x1BF5;
	p2 =	por !p2, p0  }
0x20: {  	[sflag:s8] =	ssyncset.s32 @!p0 $0xFFFFF086;
	s6 =	sadd.s32 @!p0 s3, s7;
	s7 =	simm.s32 @!p0 $0x108  }
0x21: {  	s3 =	sadd.s32 s3, s9;
	s6 =	sadd.s32 @!p0 $0x88, s6;
	s7 =	simm.s32 @p2 $0x1082  }
0x22: {  	[simem:s7], [sflag:s8] =	dma.local @!p0 [hbm:s6], $0xF7A  }
0x23: {  	s9 =	sor.u32 $0xD0000000, s2;
	s6 =	simm.s32 $0x108;
	_ =	swait.ge @!p0 [sflag:s8], $0x0  }
0x24: {  	s3 =	sadd.s32 $0x88, s3;
	s6 =	simm.s32 @!p1 $0x1082;
	[sflag:s4] =	ssyncset.s32 $0xFFFFF086  }
0x25: {  	[simem:s6], [sflag:s4] =	dma.local [hbm:s3], $0xF7A  }
0x26: {  	[smem:$0x3F9C] =	sst s1;
	(tag) =	ssettag s2;
	_ =	strace s9  }
0x27: {  	s1 =	sld [smem:$0x3FAC]  }
0x28: {  	s2 =	sld [smem:$0x3FAD]  }
0x29: {  	s4 =	sld [smem:$0x3FAF]  }
0x2a: {  	p0 =	seq.s32 s5, $0x0;
	s5 =	sld [smem:$0x3FB0]  }
0x2b: {  	s6 =	sld [smem:$0x3FB1]  }
0x2c: {  	s7 =	sld [smem:$0x3FB2]  }
0x2d: {  	s3 =	simm.s32 $0x108;
	s8 =	sld [smem:$0x3FB3]  }
0x2e: {  	s3 =	simm.s32 @!p0 $0x1082;
	s9 =	sld [smem:$0x3FB4]  }
0x2f: {  	lr =	sadd.s32 s0, s3;
	s0 =	sld [smem:$0x3FAB]  }
0x30: {  	s3 =	sld [smem:$0x3FAE]  }
0x31: {  	[smem:$0x3FB7] =	sst s10  }
0x32: {  	s10 =	sld [smem:$0x3FB5];
	_ =	sdelay $0x3  }
0x33: {  	p0 =	seq.s32 s10, $0x1;
	s10 =	sld [smem:$0x3FB7];
	_ =	sdelay $0x3  }
0x34: {  	[smem:$0x3FB7] =	sst s10  }
0x35: {  	s10 =	sld [smem:$0x3FB6];
	_ =	sdelay $0x3  }
0x36: {  	p1 =	seq.s32 s10, $0x1;
	s10 =	sld [smem:$0x3FB7];
	_ =	sdelay $0x3  }
0x37: {  	[smem:$0x3FB7] =	sst s10  }
0x38: {  	s10 =	sld [smem:$0x3FB8]  }
0x39: {  	_ = 	snop;
	(pc) =	sbr.ind lr, $3  }
0x3a: {  	_ = 	snop  }
0x3b: {  	_ = 	snop  }
0x3c: {  	p2 =	seq.s32 s10, $0x1;
	s10 =	sld [smem:$0x3FB7]  }
0x3d: {  	_ =	shalt  }
0x3e: {  	_ =	shalt  }
0x3f: {  	_ =	shalt  }
0x40: {  	_ =	shalt  }
0x41: {  	_ =	shalt  }
0x42: {  	_ =	shalt  }
0x43: {  	_ =	shalt  }
0x44: {  	_ =	shalt  }
0x45: {  	_ =	shalt  }
0x46: {  	_ =	shalt  }
0x47: {  	_ =	shalt  }
0x48: {  	_ =	shalt  }
0x49: {  	_ =	shalt  }
0x4a: {  	_ =	shalt  }
0x4b: {  	_ =	shalt  }
0x4c: {  	_ =	shalt  }
0x4d: {  	_ =	shalt  }
0x4e: {  	_ =	shalt  }
0x4f: {  	_ =	shalt  }
0x50: {  	_ =	shalt  }
0x51: {  	_ =	shalt  }
0x52: {  	_ =	shalt  }
0x53: {  	_ =	shalt  }
0x54: {  	_ =	shalt  }
0x55: {  	_ =	shalt  }
0x56: {  	_ =	shalt  }
0x57: {  	_ =	shalt  }
0x58: {  	_ =	shalt  }
0x59: {  	_ =	shalt  }
0x5a: {  	_ =	shalt  }
0x5b: {  	_ =	shalt  }
0x5c: {  	_ =	shalt  }
0x5d: {  	_ =	shalt  }
0x5e: {  	_ =	shalt  }
0x5f: {  	_ =	shalt  }
0x60: {  	_ =	shalt  }
0x61: {  	_ =	shalt  }
0x62: {  	_ =	shalt  }
0x63: {  	_ =	shalt  }
0x64: {  	_ =	shalt  }
0x65: {  	_ =	shalt  }
0x66: {  	_ =	shalt  }
0x67: {  	_ =	shalt  }
0x68: {  	_ =	shalt  }
0x69: {  	_ =	shalt  }
0x6a: {  	_ =	shalt  }
0x6b: {  	_ =	shalt  }
0x6c: {  	_ =	shalt  }
0x6d: {  	_ =	shalt  }
0x6e: {  	_ =	shalt  }
0x6f: {  	_ =	shalt  }
0x70: {  	_ =	shalt  }
0x71: {  	_ =	shalt  }
0x72: {  	_ =	shalt  }
0x73: {  	_ =	shalt  }
0x74: {  	_ =	shalt  }
0x75: {  	_ =	shalt  }
0x76: {  	_ =	shalt  }
0x77: {  	_ =	shalt  }
0x78: {  	_ =	shalt  }
0x79: {  	_ =	shalt  }
0x7a: {  	_ =	shalt  }
0x7b: {  	_ =	shalt  }
0x7c: {  	_ =	shalt  }
0x7d: {  	_ =	shalt  }
0x7e: {  	_ =	shalt  }
0x7f: {  	_ =	shalt  }
0x80: {  	_ =	shalt  }
0x81: {  	_ =	shalt  }
0x82: {  	_ =	shalt  }
0x83: {  	_ =	shalt  }
0x84: {  	_ =	shalt  }
0x85: {  	_ =	shalt  }
0x86: {  	_ =	shalt  }
0x87: {  	_ =	shalt  }
.Lfunc_end0:
.L_simem_size_0:
called_computation_lowered:
.L_overlay_start_0:
0x88: {  	s2 =	sld [smem:$0x3FD9]  }
0x89: {  	s3 =	sld [smem:$0x3FFE];
	_ =	sdelay $0x1  }
0x8a: {  	s1 =	srdreg.scid  }
0x8b: {  	s0 =	sand.u32 $0x1, s1  }
0x8c: {  	s17 =	sshll.u32 s0, $0xA;
	s2 =	sadd.s32 s3, s2  }
0x8d: {  	s2 =	sadd.s32 s2, s17  }
0x8e: {  	[smem:$0x3FC3] =	sst s2  }
0x8f: {  	_ = 	snop  }
0x90: {  	s2 =	sld [smem:$0x3FC9]  }
0x91: {  	s18 =	sld [smem:$0x3FC7]  }
0x92: {  	s4 =	sld [smem:$0x3FD0];
	(tm) =	ssettm $0x1  }
0x93: {  	s5 =	sld [smem:$0x3FFB];
	_ =	sdelay $0x3  }
0x94: {  	_ =	strace s5  }
0x95: {  	s5 =	sld [smem:$0x3FFC];
	_ =	sdelay $0x3  }
0x96: {  	_ =	strace s5  }
0x97: {  	s5 =	sld [smem:$0x3FFD];
	_ =	sdelay $0x3  }
0x98: {  	_ =	strace s5  }
0x99: {  	_ =	strace $0x8FFFFFFF  }
0x9a: {  	s19 =	sld [smem:$0x3FDB];
	_ =	sdelay $0x1  }
0x9b: {  	s6 =	simm.s32 $_scs_section_size  }
0x9c: {  	s7 =	simm.s32 $_size__tile_overlayer_lowered;
	s8 =	simm.s32 $_tile_overlayer_lowered  }
0x9d: {  	s22 =	simm.s32 $0x1BFF;
	s21 =	sshll.u32 s8, $0x1;
	s5 =	sadd.s32 s6, s19  }
0x9e: {  	s9 =	simm.s32 $0x0;
	s20 =	sshll.u32 s7, $0x1;
	s7 =	sadd.s32 s21, s5  }
0x9f: {  	[timem:s9], [sflag:s22] =	dma.local [hbm:s7], s20  }
0xa0: {  	_ =	swait.ge [sflag:s22], s20  }
0xa1: {  	s6 =	ssub.s32 $0x0, s20;
	[sflag:s22] =	ssyncset.done $0x0  }
0xa2: {  	[sflag:s22] =	ssyncadd.s32 s6;
	_ =	sdelay $0x1  }
0xa3: {  	s23 =	simm.s32 $0x1B8B  }
0xa4: {  	_ =	swait.ge [sflag:s23], $0x1  }
0xa5: {  	[sflag:s23] =	ssyncset.done $0x0  }
0xa6: {  	s25 =	simm.s32 $0x1B8E;
	s24 =	sld [smem:$0x3FFE];
	[sflag:s23] =	ssyncadd.s32 $0xFFFFFFFF  }
0xa7: {  	s26 =	simm.s32 $execute0_lowered;
	[smem:$0x3FD2] =	sst s25  }
0xa8: {  	s7 =	sshll.u32 s26, $0x1;
	_ =	strace $0x80000046;
	[dreg:$0x1] =	wrdreg $0xFFFFFFFF  }
0xa9: {  	s28 =	simm.s32 $_size_execute0_lowered;
	s5 =	sadd.s32 s5, s7;
	[dreg:$0x0] =	wrdreg $0x0  }
0xaa: {  	s7 =	sshll.u32 s28, $0x1;
	[dreg:$0x2] =	wrdreg s5  }
0xab: {  	[dreg:$0x3] =	wrdreg s7  }
0xac: {  	[dreg:$0x4] =	wrdreg $0xC0  }
0xad: {  	_ =	task [dreg:s9], $0x5FFFF  }
0xae: {  	[dreg:$0x1] =	wrdreg $0xFFFFFFFF  }
0xaf: {  	[dreg:$0x0] =	wrdreg $0x60  }
0xb0: {  	[dreg:$0x2] =	wrdreg s2  }
0xb1: {  	[dreg:$0x3] =	wrdreg s24  }
0xb2: {  	[dreg:$0x4] =	wrdreg s18  }
0xb3: {  	[dreg:$0x5] =	wrdreg s4  }
0xb4: {  	[dreg:$0x6] =	wrdreg $0xC0000  }
0xb5: {  	[dreg:$0x7] =	wrdreg $0x9  }
0xb6: {  	_ =	task.clear_ibuf [dreg:s9], $0x8FFFF;
	_ =	strace $0x90000046  }
0xb7: {  	s29 =	simm.s32 $0x9;
	_ =	strace $0x80000048  }
0xb8: {  	_ =	swait.ge [sflag:s29], $0x1  }
0xb9: {  	[sflag:s29] =	ssyncadd.s32 $0xFFFFFFFF  }
0xba: {  	_ =	strace $0x90000048  }
0xbb: {  	_ =	sfence  }
0xbc: {  	s30 =	sld [smem:$0x0];
	_ =	sdelay $0x2  }
0xbd: {  	s31 =	sshll.u32 s1, $0xD;
	s1 =	sshrl.u32 s1, $0x2  }
0xbe: {  	s3 =	sand.u32 $0x4000, s31;
	s1 =	sadd.s32 s1, s30  }
0xbf: {  	s0 =	sor.u32 s3, s0;
	s1 =	sshll.u32 s1, $0x11  }
0xc0: {  	s0 =	sor.u32 s1, s0  }
0xc1: {  	s0 =	sadd.s32 $0x8F2B, s0  }
0xc2: {  	[sflag:s0] =	ssyncadd.remote.s32 $0x1  }
0xc3: {  	_ =	sfence.sel $0xFFFF  }
0xc4: {  	[dreg:$0x0] =	wrdreg $0xFFFFFFFF;
	(pc) =	sbr.abs _section_cstart, $3  }
0xc5: {  	[dreg:$0x1] =	wrdreg $0xFFFFFFFF  }
0xc6: {  	_ =	task.clear_ibuf [dreg:s9], $0x2FFFF;
	_ =	strace $0x9FFFFFFF  }
0xc7: {  	(tm) =	ssettm $0x7FFFFFFF  }
tec
execute0_lowered:
.L_overlay_start_1:
0x0: {  	(tag) =	ssettag $0x1  }
0x1: {  	s1 =	rddreg [dreg:$0x0]  }
0x2: {  	s0 =	rddreg [dreg:$0x1]  }
0x3: {  	s2 =	rddreg [dreg:$0x2]  }
0x4: {  	s11 =	rddreg [dreg:$0x3]  }
0x5: {  	s4 =	rddreg [dreg:$0x4]  }
0x6: {  	s6 =	simm.s32 $0x0;
	s3 =	srdreg.scid;
	s12 =	stileid.u32  }
0x7: {  	s28 =	simm.s32 $0x50;
	s29 =	simm.s32 $0x7000;
	s30 =	simm.s32 $0x4800  }
0x8: {  	s31 =	simm.s32 $0x9800;
	[smem:$0x7FF] =	sst s6;
	s3 =	sand.u32 $0x1, s3  }
0x9: {  	s5 =	smul.u32 $0x4E000, s12;
	s7 =	sadd.s32 $0x10A00, s0;
	s8 =	sadd.s32 $0x1000, s0  }
0xa: {  	s13 =	sadd.s32 $0x20400, s0;
	s24 =	smul.u32 $0x2700, s12;
	p1 =	sne.s32 s12, $0xF  }
0xb: {  	p3 =	seq.s32 s12, $0xF;
	_ =	strace $0x80000047;
	s9 =	ssub.s32 $0x2, s3  }
0xc: {  	s15 =	sshll.u32 s3, $0x4;
	p0 =	seq.s32 s3, $0x1;
	[dreg:$0x6] =	wrdreg s13  }
0xd: {  	s3 =	simm.s32 $0x3;
	s5 =	sshrl.u32 s5, $0x2;
	s25 =	sadd.s32 s11, s24  }
0xe: {  	s26 =	sadd.s32 s13, s24;
	s10 =	sadd.s32 s5, s4;
	[dreg:$0xe] =	wrdreg s25  }
0xf: {  	s14 =	sshrl.u32 s9, $0x1;
	[dreg:$0xf] =	wrdreg s26;
	s17 =	sadd.s32 $0x2800, s10  }
0x10: {  	s16 =	sor.u32 s12, s15;
	s18 =	sadd.s32 $0x5000, s10;
	[dreg:$0x7] =	wrdreg s17  }
0x11: {  	s24 =	simm.s32 $0x2000;
	s19 =	sadd.s32 $0x7800, s10;
	[dreg:$0x8] =	wrdreg s18  }
0x12: {  	s0 =	ssub.s32 s9, s14;
	s20 =	sadd.s32 $0xA000, s10;
	[dreg:$0x9] =	wrdreg s19  }
0x13: {  	p2 =	seq.s32 s16, $0x1F;
	s21 =	sadd.s32 $0xC800, s10;
	[dreg:$0xa] =	wrdreg s20  }
.Ltmp0:
0x14: {  	s22 =	sadd.s32 $0xF000, s10;
	[dreg:$0xb] =	wrdreg s21;
	(pc) =	sbr.rel .LBB2_1-.Ltmp0, $4  }
0x15: {  	s25 =	simm.s32 $0x5;
	s23 =	sadd.s32 $0x11800, s10;
	[dreg:$0xc] =	wrdreg s22  }
0x16: {  	s26 =	simm.s32 $0x1000;
	[dreg:$0xd] =	wrdreg s23;
	s18 =	sadd.s32 $0x138000, s4  }
0x17: {  	s19 =	smul.u32 $0x2800, s16;
	s20 =	sshll.u32 s16, $0xE;
	s23 =	smax.u32 s0, $0x1  }
0x18: {  	v0 =	vimm.f32 $0.0e+00;
	s0 =	simm.s32 $0x1;
	s21 =	simm.s32 $0x2;
	s22 =	simm.s32 $0x4  }
.LBB2_14:
0x19: {  	s9 =	sadd.s32 $0x27000, s9;
	s11 =	sshrl.u32 s18, $0x3  }
0x1a: {  	[hbm:s9], [sflag:s5] =	dma.local [spmem:s11], $0x100  }
0x1b: {  	_ =	swait.ge [sflag:s25], $0x100  }
0x1c: {  	[sflag:s25] =	ssyncset.done $0x0  }
0x1d: {  	[sflag:s25] =	ssyncadd.s32 $0xFFFFFF00  }
.LBB2_15:
0x1e: {  	s6 =	sadd.s32 $0x1, s6  }
0x1f: {  	p4 =	sne.s32 s6, s23  }
.Ltmp1:
0x20: {  	_ = 	snop;
	(pc) =	sbr.rel @!p4 .LBB2_16-.Ltmp1, $1  }
0x21: {  	_ =	sdelay $0x3  }
.LBB2_1:
0x22: {  	s5 =	simm.s32 $0x0;
	s9 =	simm.s32 $0x200  }
.LBB2_2:
0x23: {  	p4 =	sne.s32 s9, $0x9E00;
	[tilespmem:s5+$0x2070] =	vst v0  }
0x24: {  	[tilespmem:s5+$0x2000] =	vst v0  }
0x25: {  	[tilespmem:s5+$0x2010] =	vst v0  }
.Ltmp2:
0x26: {  	[tilespmem:s5+$0x2020] =	vst v0;
	(pc) =	sbr.rel @p4 .LBB2_2-.Ltmp2, $4  }
0x27: {  	[tilespmem:s5+$0x2030] =	vst v0  }
0x28: {  	[tilespmem:s5+$0x2040] =	vst v0  }
0x29: {  	[tilespmem:s5+$0x2050] =	vst v0  }
0x2a: {  	[tilespmem:s5+$0x2060] =	vst v0;
	s5 =	sshra.s32 s9, $0x2;
	s9 =	sadd.s32 $0x200, s9  }
0x2b: {  	[tilespmem:s5+$0x2070] =	vst v0  }
0x2c: {  	[tilespmem:s5+$0x2000] =	vst v0  }
0x2d: {  	[tilespmem:s5+$0x2010] =	vst v0  }
0x2e: {  	[tilespmem:s5+$0x2020] =	vst v0  }
0x2f: {  	[tilespmem:s5+$0x2030] =	vst v0  }
0x30: {  	[tilespmem:s5+$0x2040] =	vst v0  }
0x31: {  	[tilespmem:s5+$0x2050] =	vst v0  }
0x32: {  	[tilespmem:s5+$0x2060] =	vst v0  }
0x33: {  	[spmem:s10] =	stream.linear.scatter [tilespmem:s24], [sflag:$0x5], $0x2800, $0x38;
	[tilespmem:$0x1F880] =	vst v63  }
0x34: {  	_ =	swait.ge [sflag:s25], $0x2800  }
0x35: {  	[sflag:s25] =	ssyncset.done $0x0  }
0x36: {  	s11 =	rddreg [dreg:$0x7];
	[sflag:s25] =	ssyncadd.s32 $0xFFFFD800  }
0x37: {  	[spmem:s11] =	stream.linear.scatter [tilespmem:s24], [sflag:$0x5], $0x2800, $0x38;
	[tilespmem:$0x1F880] =	vst v63  }
0x38: {  	_ =	swait.ge [sflag:s25], $0x2800  }
0x39: {  	[sflag:s25] =	ssyncset.done $0x0  }
0x3a: {  	s12 =	rddreg [dreg:$0x8];
	[sflag:s25] =	ssyncadd.s32 $0xFFFFD800  }
0x3b: {  	[spmem:s12] =	stream.linear.scatter [tilespmem:s24], [sflag:$0x5], $0x2800, $0x38;
	[tilespmem:$0x1F880] =	vst v63  }
0x3c: {  	_ =	swait.ge [sflag:s25], $0x2800  }
0x3d: {  	[sflag:s25] =	ssyncset.done $0x0  }
0x3e: {  	s13 =	rddreg [dreg:$0x9];
	[sflag:s25] =	ssyncadd.s32 $0xFFFFD800  }
0x3f: {  	[spmem:s13] =	stream.linear.scatter [tilespmem:s24], [sflag:$0x5], $0x2800, $0x38;
	[tilespmem:$0x1F880] =	vst v63  }
0x40: {  	_ =	swait.ge [sflag:s25], $0x2800  }
0x41: {  	[sflag:s25] =	ssyncset.done $0x0  }
0x42: {  	s14 =	rddreg [dreg:$0xa];
	[sflag:s25] =	ssyncadd.s32 $0xFFFFD800  }
0x43: {  	[spmem:s14] =	stream.linear.scatter [tilespmem:s24], [sflag:$0x5], $0x2800, $0x38;
	[tilespmem:$0x1F880] =	vst v63  }
0x44: {  	_ =	swait.ge [sflag:s25], $0x2800  }
0x45: {  	[sflag:s25] =	ssyncset.done $0x0  }
0x46: {  	s15 =	rddreg [dreg:$0xb];
	[sflag:s25] =	ssyncadd.s32 $0xFFFFD800  }
0x47: {  	[spmem:s15] =	stream.linear.scatter [tilespmem:s24], [sflag:$0x5], $0x2800, $0x38;
	[tilespmem:$0x1F880] =	vst v63  }
0x48: {  	_ =	swait.ge [sflag:s25], $0x2800  }
0x49: {  	[sflag:s25] =	ssyncset.done $0x0  }
0x4a: {  	s16 =	rddreg [dreg:$0xc];
	[sflag:s25] =	ssyncadd.s32 $0xFFFFD800  }
0x4b: {  	[spmem:s16] =	stream.linear.scatter [tilespmem:s24], [sflag:$0x5], $0x2800, $0x38;
	[tilespmem:$0x1F880] =	vst v63  }
0x4c: {  	_ =	swait.ge [sflag:s25], $0x2800  }
0x4d: {  	[sflag:s25] =	ssyncset.done $0x0  }
0x4e: {  	s17 =	rddreg [dreg:$0xd];
	[sflag:s25] =	ssyncadd.s32 $0xFFFFD800  }
0x4f: {  	[spmem:s17] =	stream.linear.scatter [tilespmem:s24], [sflag:$0x5], $0x2000, $0x38;
	[tilespmem:$0x1F880] =	vst v63  }
0x50: {  	_ =	swait.ge [sflag:s25], $0x2000  }
0x51: {  	[sflag:s25] =	ssyncset.done $0x0  }
0x52: {  	s5 =	simm.s32 @!p1 $0x2000;
	[sflag:s25] =	ssyncadd.s32 $0xFFFFE000  }
0x53: {  	[spmem:s18] =	stream.linear.scatter @!p1 [tilespmem:s5], [sflag:$0x5], $0x800, $0x38;
	[tilespmem:$0x1F880] =	vst v63  }
0x54: {  	s5 =	simm.s32 @!p1 $0x5  }
0x55: {  	_ =	swait.ge @!p1 [sflag:s5], $0x800  }
0x56: {  	[sflag:s5] =	ssyncset.done @!p1 $0x0  }
0x57: {  	[sflag:s5] =	ssyncadd.s32 @!p1 $0xFFFFF800  }
0x58: {  	s9 =	simm.s32 $0x0;
	s5 =	simm.s32 $0x0;
	[bflag:$0x0] =	sbarrier.arrive $0xFFFF  }
.LBB2_4:
0x59: {  	s11 =	sshll.u32 s5, $0xC  }
0x5a: {  	s11 =	sadd.s32 s20, s11  }
0x5b: {  	s11 =	sshrl.u32 s11, $0x3  }
0x5c: {  	s12 =	sadd.s32 s7, s11  }
0x5d: {  	[tilespmem:s9], [sflag:$0x5] =	stream.linear.gather [hbm4b:s12+s9], $0x1000, $0x38;
	[tilespmem:$0x1F880] =	vst v63  }
0x5e: {  	_ =	swait.ge [sflag:s25], $0x1000  }
0x5f: {  	[sflag:s25] =	ssyncset.done $0x0  }
0x60: {  	s16 =	smul.u32 $0xA00, s5;
	s11 =	sadd.s32 s8, s11;
	[sflag:s25] =	ssyncadd.s32 $0xFFFFF000  }
0x61: {  	[tilespmem:s26], [sflag:$0x5] =	stream.linear.gather [hbm4b:s11+s9], $0x1000, $0x38;
	[tilespmem:$0x1F880] =	vst v63  }
0x62: {  	_ =	swait.ge [sflag:s25], $0x1000  }
0x63: {  	s11 =	sadd.s32 s19, s16;
	[sflag:s25] =	ssyncset.done $0x0  }
0x64: {  	s17 =	sshll.u32 s11, $0x4;
	[sflag:s25] =	ssyncadd.s32 $0xFFFFF000  }
0x65: {  	[tilespmem:s24], [sflag:$0x1] =	stream.indirect.gather [hbm4b:s1+s28], $0x80, s9, s28, $0xb8;
	[tilespmem:$0x1F880] =	vst v63  }
0x66: {  	s12 =	sadd.s32 s2, s17  }
0x67: {  	[tilespmem:s29], [sflag:$0x3] =	stream.linear.gather [hbm4b:s12+s9], $0x2800, $0x38;
	[tilespmem:$0x1F880] =	vst v63  }
0x68: {  	s12 =	simm.s32 $0x0  }
.LBB2_5:
0x69: {  	s14 =	sshllo.u32 s12, $0x1  }
0x6a: {  	s13 =	sshll.u32 s14, $0x7;
	s14 =	smul.u32 $0x50, s14  }
0x6b: {  	[tilespmem:s30], [sflag:$0x2] =	stream.indirect.gather [hbm4b:s1+s28], $0x80, s13, s28, $0xb8;
	[tilespmem:$0x1F880] =	vst v63  }
0x6c: {  	s14 =	sadd.s32 s11, s14  }
0x6d: {  	s14 =	sshll.u32 s14, $0x4  }
0x6e: {  	s15 =	simm.s32 $0x0;
	s14 =	sadd.s32 s2, s14  }
0x6f: {  	[tilespmem:s31], [sflag:$0x4] =	stream.linear.gather [hbm4b:s14+s15], $0x2800, $0x38;
	[tilespmem:$0x1F880] =	vst v63  }
0x70: {  	_ =	swait.ge [sflag:s0], $0x2800  }
0x71: {  	[sflag:s0] =	ssyncset.done $0x0  }
0x72: {  	[sflag:s0] =	ssyncadd.s32 $0xFFFFD800  }
0x73: {  	_ =	swait.ge [sflag:s3], $0x2800  }
0x74: {  	[sflag:s3] =	ssyncset.done $0x0  }
0x75: {  	s14 =	simm.s32 $0x0;
	[sflag:s3] =	ssyncadd.s32 $0xFFFFD800  }
0x76: {  	v7 =	vld [tilespmem:s14+$0x7000]  }
0x77: {  	v12 =	vld [tilespmem:s14+$0x7010]  }
0x78: {  	v6 =	vld [tilespmem:s14+$0x7020]  }
0x79: {  	v5 =	vld [tilespmem:s14+$0x7030]  }
0x7a: {  	v4 =	vld [tilespmem:s14+$0x7040]  }
0x7b: {  	v3 =	vld [tilespmem:s14+$0x7050]  }
0x7c: {  	v2 =	vld [tilespmem:s14+$0x7060]  }
0x7d: {  	v1 =	vld [tilespmem:s14+$0x7070]  }
0x7e: {  	v13 =	vld [tilespmem:s14+$0x2000]  }
0x7f: {  	v14 =	vld [tilespmem:s14+$0x2010]  }
0x80: {  	v11 =	vld [tilespmem:s14+$0x2020]  }
0x81: {  	v10 =	vld [tilespmem:s14+$0x2030]  }
0x82: {  	v9 =	vld [tilespmem:s14+$0x2040]  }
0x83: {  	v8 =	vld [tilespmem:s14+$0x2050];
	v13 =	vadd.f32 v7, v13  }
0x84: {  	s16 =	simm.s32 $0x200;
	s15 =	sshll.u32 s12, $0x1;
	v12 =	vadd.f32 v12, v14;
	v7 =	vld [tilespmem:s14+$0x2060]  }
.LBB2_6:
0x85: {  	s17 =	sshra.s32 s16, $0x2;
	p4 =	sne.s32 s16, $0x9E00;
	v13 =	vmax.f32 v13, $0.0e+00;
	v6 =	vadd.f32 v6, v11;
	v11 =	vld [tilespmem:s14+$0x2070]  }
0x86: {  	v14 =	vld [tilespmem:s17+$0x7000];
	[tilespmem:s14+$0x2000] =	vst v13;
	v12 =	vmax.f32 v12, $0.0e+00;
	v5 =	vadd.f32 v5, v10  }
0x87: {  	v15 =	vld [tilespmem:s17+$0x7010];
	[tilespmem:s14+$0x2010] =	vst v12;
	v10 =	vmax.f32 v6, $0.0e+00;
	v4 =	vadd.f32 v4, v9  }
0x88: {  	v6 =	vld [tilespmem:s17+$0x7020];
	[tilespmem:s14+$0x2020] =	vst v10;
	v9 =	vmax.f32 v5, $0.0e+00;
	v3 =	vadd.f32 v3, v8  }
0x89: {  	v5 =	vld [tilespmem:s17+$0x7030];
	[tilespmem:s14+$0x2030] =	vst v9;
	v8 =	vmax.f32 v4, $0.0e+00;
	v2 =	vadd.f32 v2, v7  }
0x8a: {  	v4 =	vld [tilespmem:s17+$0x7040];
	[tilespmem:s14+$0x2040] =	vst v8;
	v7 =	vmax.f32 v3, $0.0e+00;
	v1 =	vadd.f32 v1, v11  }
0x8b: {  	v3 =	vld [tilespmem:s17+$0x7050];
	[tilespmem:s14+$0x2050] =	vst v7;
	v7 =	vmax.f32 v2, $0.0e+00  }
0x8c: {  	v2 =	vld [tilespmem:s17+$0x7060];
	[tilespmem:s14+$0x2060] =	vst v7;
	v7 =	vmax.f32 v1, $0.0e+00  }
0x8d: {  	v1 =	vld [tilespmem:s17+$0x7070];
	[tilespmem:s14+$0x2070] =	vst v7;
	s14 =	smov.u32 s17  }
0x8e: {  	v7 =	vld [tilespmem:s14+$0x2000]  }
0x8f: {  	v12 =	vld [tilespmem:s14+$0x2010]  }
.Ltmp3:
0x90: {  	v11 =	vld [tilespmem:s14+$0x2020];
	(pc) =	sbr.rel @p4 .LBB2_6-.Ltmp3, $4  }
0x91: {  	v10 =	vld [tilespmem:s14+$0x2030]  }
0x92: {  	v9 =	vld [tilespmem:s14+$0x2040]  }
0x93: {  	v13 =	vadd.f32 v14, v7;
	v8 =	vld [tilespmem:s14+$0x2050]  }
0x94: {  	s16 =	sadd.s32 $0x200, s16;
	v12 =	vadd.f32 v15, v12;
	v7 =	vld [tilespmem:s14+$0x2060]  }
0x95: {  	v13 =	vmax.f32 v13, $0.0e+00;
	v6 =	vadd.f32 v6, v11;
	v11 =	vld [tilespmem:s14+$0x2070]  }
0x96: {  	[tilespmem:s14+$0x2000] =	vst v13;
	v12 =	vmax.f32 v12, $0.0e+00;
	v5 =	vadd.f32 v5, v10  }
0x97: {  	[tilespmem:s14+$0x2010] =	vst v12;
	v6 =	vmax.f32 v6, $0.0e+00;
	v4 =	vadd.f32 v4, v9  }
0x98: {  	[tilespmem:s14+$0x2020] =	vst v6;
	v5 =	vmax.f32 v5, $0.0e+00;
	v3 =	vadd.f32 v3, v8  }
0x99: {  	[tilespmem:s14+$0x2030] =	vst v5;
	v4 =	vmax.f32 v4, $0.0e+00;
	v2 =	vadd.f32 v2, v7  }
0x9a: {  	[tilespmem:s14+$0x2040] =	vst v4;
	v3 =	vmax.f32 v3, $0.0e+00;
	v1 =	vadd.f32 v1, v11  }
0x9b: {  	s16 =	sshll.u32 s12, $0x8;
	[tilespmem:s14+$0x2050] =	vst v3;
	v2 =	vmax.f32 v2, $0.0e+00  }
0x9c: {  	p4 =	seq.s32 s12, $0xF;
	s16 =	sand.u32 $0x3FFFFF00, s16;
	[tilespmem:s14+$0x2060] =	vst v2;
	v1 =	vmax.f32 v1, $0.0e+00  }
0x9d: {  	s17 =	sadd.s32 $0x1000, s16;
	[tilespmem:s14+$0x2070] =	vst v1;
	s14 =	sadd.s32 @!p4 $0x2, s15  }
0x9e: {  	[spmem:s4] =	stream.indirect.scatter.add.f32 [tilespmem:s24], [sflag:$0x5], $0x80, s17, s28, $0xb8;
	[tilespmem:$0x1F880] =	vst v63  }
0x9f: {  	s15 =	sshll.u32 @!p4 s14, $0x7;
	s14 =	smul.u32 @!p4 $0x50, s14  }
0xa0: {  	s16 =	simm.s32 @!p4 $0x50;
	_ =	swait.ge [sflag:s25], $0x2800  }
0xa1: {  	s17 =	simm.s32 @!p4 $0x2000;
	[sflag:s25] =	ssyncset.done $0x0;
	s14 =	sadd.s32 @!p4 s11, s14  }
0xa2: {  	s15 =	sand.u32 @!p4 $0x3FFFFF80, s15;
	[sflag:s25] =	ssyncadd.s32 $0xFFFFD800;
	s14 =	sshll.u32 @!p4 s14, $0x4  }
0xa3: {  	[tilespmem:s17], [sflag:$0x1] =	stream.indirect.gather @!p4 [hbm4b:s1+s16], $0x80, s15, s16, $0xb8;
	[tilespmem:$0x1F880] =	vst v63  }
0xa4: {  	s14 =	sadd.s32 @!p4 s2, s14;
	s15 =	simm.s32 @!p4 $0x0;
	s16 =	simm.s32 @!p4 $0x7000  }
0xa5: {  	[tilespmem:s16], [sflag:$0x3] =	stream.linear.gather @!p4 [hbm4b:s14+s15], $0x2800, $0x38;
	[tilespmem:$0x1F880] =	vst v63  }
0xa6: {  	_ =	swait.ge [sflag:s21], $0x2800  }
0xa7: {  	[sflag:s21] =	ssyncset.done $0x0  }
0xa8: {  	[sflag:s21] =	ssyncadd.s32 $0xFFFFD800  }
0xa9: {  	_ =	swait.ge [sflag:s22], $0x2800  }
0xaa: {  	[sflag:s22] =	ssyncset.done $0x0  }
0xab: {  	s14 =	simm.s32 $0x0;
	[sflag:s22] =	ssyncadd.s32 $0xFFFFD800  }
0xac: {  	v7 =	vld [tilespmem:s14+$0x9800]  }
0xad: {  	v12 =	vld [tilespmem:s14+$0x9810]  }
0xae: {  	v6 =	vld [tilespmem:s14+$0x9820]  }
0xaf: {  	v5 =	vld [tilespmem:s14+$0x9830]  }
0xb0: {  	v4 =	vld [tilespmem:s14+$0x9840]  }
0xb1: {  	v3 =	vld [tilespmem:s14+$0x9850]  }
0xb2: {  	v2 =	vld [tilespmem:s14+$0x9860]  }
0xb3: {  	v1 =	vld [tilespmem:s14+$0x9870]  }
0xb4: {  	v13 =	vld [tilespmem:s14+$0x4800]  }
0xb5: {  	v14 =	vld [tilespmem:s14+$0x4810]  }
0xb6: {  	v11 =	vld [tilespmem:s14+$0x4820]  }
0xb7: {  	v10 =	vld [tilespmem:s14+$0x4830]  }
0xb8: {  	v9 =	vld [tilespmem:s14+$0x4840]  }
0xb9: {  	v8 =	vld [tilespmem:s14+$0x4850];
	v13 =	vadd.f32 v7, v13  }
0xba: {  	s15 =	simm.s32 $0x200;
	v12 =	vadd.f32 v12, v14;
	v7 =	vld [tilespmem:s14+$0x4860]  }
.LBB2_8:
0xbb: {  	s16 =	sshra.s32 s15, $0x2;
	p4 =	sne.s32 s15, $0x9E00;
	v13 =	vmax.f32 v13, $0.0e+00;
	v6 =	vadd.f32 v6, v11;
	v11 =	vld [tilespmem:s14+$0x4870]  }
0xbc: {  	v14 =	vld [tilespmem:s16+$0x9800];
	[tilespmem:s14+$0x4800] =	vst v13;
	v12 =	vmax.f32 v12, $0.0e+00;
	v5 =	vadd.f32 v5, v10  }
0xbd: {  	v15 =	vld [tilespmem:s16+$0x9810];
	[tilespmem:s14+$0x4810] =	vst v12;
	v10 =	vmax.f32 v6, $0.0e+00;
	v4 =	vadd.f32 v4, v9  }
0xbe: {  	v6 =	vld [tilespmem:s16+$0x9820];
	[tilespmem:s14+$0x4820] =	vst v10;
	v9 =	vmax.f32 v5, $0.0e+00;
	v3 =	vadd.f32 v3, v8  }
0xbf: {  	v5 =	vld [tilespmem:s16+$0x9830];
	[tilespmem:s14+$0x4830] =	vst v9;
	v8 =	vmax.f32 v4, $0.0e+00;
	v2 =	vadd.f32 v2, v7  }
0xc0: {  	v4 =	vld [tilespmem:s16+$0x9840];
	[tilespmem:s14+$0x4840] =	vst v8;
	v7 =	vmax.f32 v3, $0.0e+00;
	v1 =	vadd.f32 v1, v11  }
0xc1: {  	v3 =	vld [tilespmem:s16+$0x9850];
	[tilespmem:s14+$0x4850] =	vst v7;
	v7 =	vmax.f32 v2, $0.0e+00  }
0xc2: {  	v2 =	vld [tilespmem:s16+$0x9860];
	[tilespmem:s14+$0x4860] =	vst v7;
	v7 =	vmax.f32 v1, $0.0e+00  }
0xc3: {  	v1 =	vld [tilespmem:s16+$0x9870];
	[tilespmem:s14+$0x4870] =	vst v7;
	s14 =	smov.u32 s16  }
0xc4: {  	v7 =	vld [tilespmem:s14+$0x4800]  }
0xc5: {  	v12 =	vld [tilespmem:s14+$0x4810]  }
.Ltmp4:
0xc6: {  	v11 =	vld [tilespmem:s14+$0x4820];
	(pc) =	sbr.rel @p4 .LBB2_8-.Ltmp4, $4  }
0xc7: {  	v10 =	vld [tilespmem:s14+$0x4830]  }
0xc8: {  	v9 =	vld [tilespmem:s14+$0x4840]  }
0xc9: {  	v13 =	vadd.f32 v14, v7;
	v8 =	vld [tilespmem:s14+$0x4850]  }
0xca: {  	s15 =	sadd.s32 $0x200, s15;
	v12 =	vadd.f32 v15, v12;
	v7 =	vld [tilespmem:s14+$0x4860]  }
0xcb: {  	v13 =	vmax.f32 v13, $0.0e+00;
	v6 =	vadd.f32 v6, v11;
	v63 =	vld [tilespmem:s14+$0x4870]  }
0xcc: {  	[tilespmem:s14+$0x4800] =	vst v13;
	v12 =	vmax.f32 v12, $0.0e+00;
	v5 =	vadd.f32 v5, v10  }
0xcd: {  	[tilespmem:s14+$0x4810] =	vst v12;
	v6 =	vmax.f32 v6, $0.0e+00;
	v4 =	vadd.f32 v4, v9  }
0xce: {  	[tilespmem:s14+$0x4820] =	vst v6;
	v5 =	vmax.f32 v5, $0.0e+00;
	v3 =	vadd.f32 v3, v8  }
0xcf: {  	[tilespmem:s14+$0x4830] =	vst v5;
	v4 =	vmax.f32 v4, $0.0e+00;
	v2 =	vadd.f32 v2, v7  }
0xd0: {  	[tilespmem:s14+$0x4840] =	vst v4;
	v3 =	vmax.f32 v3, $0.0e+00;
	v1 =	vadd.f32 v1, v63  }
0xd1: {  	s12 =	sadd.s32 $0x1, s12;
	[tilespmem:s14+$0x4850] =	vst v3;
	v2 =	vmax.f32 v2, $0.0e+00  }
0xd2: {  	p4 =	sne.s32 s12, $0x10;
	[tilespmem:s14+$0x4860] =	vst v2;
	v1 =	vmax.f32 v1, $0.0e+00  }
.Ltmp5:
0xd3: {  	s13 =	sadd.s32 $0x1000, s13;
	[tilespmem:s14+$0x4870] =	vst v1;
	(pc) =	sbr.rel @p4 .LBB2_5-.Ltmp5, $4  }
0xd4: {  	[spmem:s4] =	stream.indirect.scatter.add.f32 [tilespmem:s30], [sflag:$0x5], $0x80, s13, s28, $0xb8;
	[tilespmem:$0x1F880] =	vst v63  }
0xd5: {  	_ =	swait.ge [sflag:s25], $0x2800  }
0xd6: {  	[sflag:s25] =	ssyncset.done $0x0  }
0xd7: {  	[sflag:s25] =	ssyncadd.s32 $0xFFFFD800  }
0xd8: {  	p4 =	slt.u32 @!p2 s5, $0x3  }
0xd9: {  	p4 =	por p2, !p4  }
.Ltmp6:
0xda: {  	_ = 	snop;
	(pc) =	sbr.rel @!p4 .LBB2_4-.Ltmp6, $2  }
0xdb: {  	_ =	sdelay $0x2  }
0xdc: {  	s5 =	sadd.s32 $0x1, s5  }
.Ltmp7:
0xdd: {  	(pc) =	sbr.rel @!p0 .LBB2_12-.Ltmp7, $4  }
0xde: {  	_ = 	snop  }
0xdf: {  	s5 =	stileid.u32  }
0xe0: {  	[bflag:$0x0] =	sbarrier.arrive $0xFFFF;
	s11 =	sshll.u32 s5, $0x6  }
0xe1: {  	s9 =	sshrl.u32 s10, $0x3;
	s5 =	sor.u32 $0x1C05, s11  }
0xe2: {  	s5 =	sor.u32 $0x1C05, s11;
	s17 =	rddreg [dreg:$0xf]  }
0xe3: {  	[hbm:s17], [sflag:s5] =	dma.local [spmem:s9], $0x2700  }
.Ltmp8:
0xe4: {  	_ = 	snop;
	(pc) =	sbr.rel @p1 .LBB2_15-.Ltmp8, $4  }
.Ltmp9:
0xe5: {  	_ = 	snop;
	(pc) =	sbr.rel @!p1 .LBB2_14-.Ltmp9, $4  }
0xe6: {  	_ =	swait.ge [sflag:s25], $0x2700  }
0xe7: {  	[sflag:s25] =	ssyncset.done $0x0  }
0xe8: {  	s9 =	rddreg [dreg:$0x6];
	[sflag:s25] =	ssyncadd.s32 $0xFFFFD900  }
0xe9: {  	_ = 	snop  }
.LBB2_12:
0xea: {  	s11 =	rddreg [dreg:$0xe]  }
0xeb: {  	[hbm:s11], [sflag:s5] =	dma.local [spmem:s9], $0x2700  }
.Ltmp10:
0xec: {  	_ = 	snop;
	(pc) =	sbr.rel @p3 .LBB2_14-.Ltmp10, $4  }
.Ltmp11:
0xed: {  	_ =	swait.ge [sflag:s25], $0x2700;
	(pc) =	sbr.rel @!p3 .LBB2_15-.Ltmp11, $4  }
0xee: {  	[sflag:s25] =	ssyncset.done $0x0  }
0xef: {  	[sflag:s25] =	ssyncadd.s32 $0xFFFFD900  }
0xf0: {  	s9 =	rddreg [dreg:$0x3]  }
0xf1: {  	_ = 	snop  }
.LBB2_16:
0xf2: {  	_ =	sfence.sel $0x180000  }
0xf3: {  	[bflag:$0x0] =	sbarrier.arrive $0xFFFF  }
0xf4: {  	_ =	strace $0x90000047  }
0xf5: {  	s0 =	stileid.u32;
	[bflag:$0x2] =	sbarrier.arrive $0xFFFF  }
0xf6: {  	p0 =	sne.s32 s0, $0x0;
	s0 =	rddreg [dreg:$0x5]  }
0xf7: {  	s0 =	sadd.s32 @!p0 $0x100000, s0  }
0xf8: {  	[sflag:s0] =	ssyncadd.tile.s32 @!p0 $0x1;
	_ =	shalt  }
.Lfunc_end2:
_tile_overlayer_lowered:
.L_overlay_start_2:
0xf9: {  	(tag) =	ssettag $0x2  }
0xfa: {  	s0 =	rddreg [dreg:$0x0];
	s2 =	stileid.u32  }
0xfb: {  	s1 =	rddreg [dreg:$0x1];
	p0 =	sne.s32 s2, $0x0  }
0xfc: {  	s3 =	rddreg [dreg:$0x2];
	[bflag:$0x3] =	sbarrier.arrive $0xFFFF;
	s2 =	simm.s32 @!p0 $0x1C05  }
0xfd: {  	[timem:s3], [sflag:s2] =	dma.local @!p0 [hbm:s0], s1  }
0xfe: {  	s0 =	simm.s32 @!p0 $0x5  }
0xff: {  	_ =	swait.ge @!p0 [sflag:s0], s1  }
0x100: {  	s1 =	ssub.s32 @!p0 $0x0, s1;
	[sflag:s0] =	ssyncset.done @!p0 $0x0  }
0x101: {  	[sflag:s0] =	ssyncadd.s32 @!p0 s1  }
0x102: {  	[bflag:$0x3] =	sbarrier.arrive $0xFFFF  }
0x103: {  	_ =	shalt  }

</sc_bundles>
